<compile_context>
chip_gen: v7x
topology: tpu7x:2x2x1
jax: 0.10.2.dev20260603
libtpu: 0.0.44.dev20260713+nightly
codegen_flags: <defaults>
</compile_context>

<pallas_src>
import functools

import jax
import jax.numpy as jnp
from jax import lax
from jax.experimental import pallas as pl
from jax.experimental.pallas import tpu as pltpu
from jax.experimental.pallas import tpu_sc as plsc

N = 10000
D = 256
E = 160000
P = 10112
NC = 2
NS = 16
NW = NC * NS
CH = 128
NCHT = E // CH
NCH = 40
NTL = NCHT - (NW - 1) * NCH
VPC = CH // 16
ZCH = 3792
WIN = 8


def _proj_body(x0_ref, x1_ref, ws_ref, wd_ref, atts_ref, attd_ref, out_ref):
    xs = x0_ref[...]
    xd = x1_ref[...]
    wsa = jnp.dot(ws_ref[...], atts_ref[...], preferred_element_type=jnp.float32)
    wda = jnp.dot(wd_ref[...], attd_ref[...], preferred_element_type=jnp.float32)
    a_s = jnp.dot(xs, wsa, preferred_element_type=jnp.float32)
    a_d = jnp.dot(xd, wda, preferred_element_type=jnp.float32)
    h0 = jnp.dot(xs, ws_ref[:, 0], preferred_element_type=jnp.float32)
    h1 = jnp.dot(xs, ws_ref[:, 1], preferred_element_type=jnp.float32)
    tab = jnp.concatenate(
        [a_s[None, :], a_d[None, :], h0[None, :], h1[None, :]], axis=0)
    out_ref[...] = jnp.pad(tab, ((0, 0), (0, P - N)))


def _proj(x0, x1, ws, wd, atts, attd):
    return pl.pallas_call(
        _proj_body,
        out_shape=jax.ShapeDtypeStruct((4, P), jnp.float32),
    )(x0, x1, ws, wd, atts, attd)


def _edge_body(tab_hbm, ei_hbm, out_hbm,
               tab_v, srcf_v, dstf_v, dst0_v, dstp_v, dst2p_v,
               ex_v, e0_v, e1_v, z_v, acc_sh, sem):
    c = lax.axis_index("c")
    s = lax.axis_index("s")
    wid = s * NC + c
    base = wid * NCH * CH
    last = wid == NW - 1
    ncnt = jnp.where(last, NTL, NCH)

    pltpu.sync_copy(tab_hbm, tab_v)

    @pl.when(jnp.logical_not(last))
    def _full():
        pltpu.sync_copy(ei_hbm.at[0, pl.ds(base, NCH * CH)], srcf_v)
        pltpu.sync_copy(ei_hbm.at[1, pl.ds(base, NCH * CH)], dstf_v)

    @pl.when(last)
    def _tail():
        pltpu.sync_copy(ei_hbm.at[0, pl.ds(base, NTL * CH)],
                        srcf_v.at[pl.ds(0, NTL * CH)])
        pltpu.sync_copy(ei_hbm.at[1, pl.ds(base, NTL * CH)],
                        dstf_v.at[pl.ds(0, NTL * CH)])

    @pl.when(s == 0)
    def _zero():
        def zb(i, carry):
            z_v[pl.ds(i * 16, 16)] = jnp.zeros((16,), jnp.float32)
            return carry
        lax.fori_loop(0, ZCH // 16, zb, 0)

        def zs(i, carry):
            pltpu.sync_copy(z_v, acc_sh.at[pl.ds(i * ZCH, ZCH)])
            return carry
        lax.fori_loop(0, (3 * P) // ZCH, zs, 0)

    plsc.subcore_barrier()

    r0 = jnp.zeros((16,), jnp.int32)
    r1 = r0 + 1
    r2 = r0 + 2
    r3 = r0 + 3

    def chunk(j, carry):
        for k in range(VPC):
            sl = pl.ds(k * 16, 16)
            fsl = pl.ds(j * CH + k * 16, 16)
            src = srcf_v[fsl]
            dst = dstf_v[fsl]
            a_s = plsc.load_gather(tab_v, [r0, src])
            a_d = plsc.load_gather(tab_v, [r1, dst])
            h0 = plsc.load_gather(tab_v, [r2, src])
            h1 = plsc.load_gather(tab_v, [r3, src])
            e = a_s + a_d
            e = jnp.where(e > 0.0, e, 0.2 * e)
            ex = jnp.exp(e)
            ex_v[j, sl] = ex
            e0_v[j, sl] = ex * h0
            e1_v[j, sl] = ex * h1
            dst0_v[j, sl] = dst
            dstp_v[j, sl] = dst + P
            dst2p_v[j, sl] = dst + 2 * P
        pltpu.async_copy(ex_v.at[j], acc_sh.at[dst0_v.at[j]], sem, add=True)
        pltpu.async_copy(e0_v.at[j], acc_sh.at[dstp_v.at[j]], sem, add=True)
        pltpu.async_copy(e1_v.at[j], acc_sh.at[dst2p_v.at[j]], sem, add=True)

        @pl.when(j >= WIN)
        def _drain_one():
            i = j - WIN
            pltpu.make_async_copy(ex_v.at[i], acc_sh.at[dst0_v.at[i]], sem).wait()
            pltpu.make_async_copy(e0_v.at[i], acc_sh.at[dstp_v.at[i]], sem).wait()
            pltpu.make_async_copy(e1_v.at[i], acc_sh.at[dst2p_v.at[i]], sem).wait()
        return carry

    lax.fori_loop(0, ncnt, chunk, 0)

    def draintail(i, carry):
        pltpu.make_async_copy(ex_v.at[i], acc_sh.at[dst0_v.at[i]], sem).wait()
        pltpu.make_async_copy(e0_v.at[i], acc_sh.at[dstp_v.at[i]], sem).wait()
        pltpu.make_async_copy(e1_v.at[i], acc_sh.at[dst2p_v.at[i]], sem).wait()
        return carry

    lax.fori_loop(jnp.maximum(ncnt - WIN, 0), ncnt, draintail, 0)

    plsc.subcore_barrier()

    @pl.when(s == 0)
    def _flush():
        pltpu.sync_copy(acc_sh, out_hbm.at[c])


_edge_call = functools.partial(
    pl.kernel,
    out_type=jax.ShapeDtypeStruct((NC, 3 * P), jnp.float32),
    mesh=plsc.VectorSubcoreMesh(core_axis_name="c", subcore_axis_name="s"),
    compiler_params=pltpu.CompilerParams(needs_layout_passes=False),
    scratch_types=[
        pltpu.VMEM((4, P), jnp.float32),
        pltpu.VMEM((NCH * CH,), jnp.int32),
        pltpu.VMEM((NCH * CH,), jnp.int32),
        pltpu.VMEM((NCH, CH), jnp.int32),
        pltpu.VMEM((NCH, CH), jnp.int32),
        pltpu.VMEM((NCH, CH), jnp.int32),
        pltpu.VMEM((NCH, CH), jnp.float32),
        pltpu.VMEM((NCH, CH), jnp.float32),
        pltpu.VMEM((NCH, CH), jnp.float32),
        pltpu.VMEM((ZCH,), jnp.float32),
        pltpu.VMEM_SHARED((3 * P,), jnp.float32),
        pltpu.SemaphoreType.DMA,
    ],
)(_edge_body)


def _head_body(parts_ref, ba_ref, w1_ref, b1_ref, w2_ref, b2_ref,
               w3_ref, b3_ref, out_ref):
    p = parts_ref[...]
    tot = p[0] + p[1]
    inv = 1.0 / (tot[0:P] + 1e-16)
    o0 = jnp.maximum(tot[P:2 * P] * inv + ba_ref[0], 0.0)
    o1 = jnp.maximum(tot[2 * P:3 * P] * inv + ba_ref[1], 0.0)
    f1 = [jnp.maximum(o0 * w1_ref[0, j] + o1 * w1_ref[1, j] + b1_ref[j], 0.0)
          for j in range(2)]
    f2 = [jnp.maximum(f1[0] * w2_ref[0, j] + f1[1] * w2_ref[1, j] + b2_ref[j],
                      0.0)
          for j in range(4)]
    z = (f2[0] * w3_ref[0, 0] + f2[1] * w3_ref[1, 0]
         + f2[2] * w3_ref[2, 0] + f2[3] * w3_ref[3, 0] + b3_ref[0])
    out_ref[...] = jax.nn.sigmoid(z)[None, :]


def _head(parts, ba, w1, b1, w2, b2, w3, b3):
    smem = pl.BlockSpec(memory_space=pltpu.SMEM)
    return pl.pallas_call(
        _head_body,
        in_specs=[pl.BlockSpec(memory_space=pltpu.VMEM),
                  smem, smem, smem, smem, smem, smem, smem],
        out_specs=pl.BlockSpec(memory_space=pltpu.VMEM),
        out_shape=jax.ShapeDtypeStruct((1, P), jnp.float32),
    )(parts, ba, w1, b1, w2, b2, w3, b3)


def kernel(x_0, x_1, ei_a, ei_b, W_src_a, W_dst_a, att_src_a, att_dst_a,
           bias_a, W_src_b, W_dst_b, att_src_b, att_dst_b, bias_b,
           W_fc1, b_fc1, W_fc2, b_fc2, W_fc3, b_fc3):
    tab_p = _proj(x_0, x_1, W_src_a, W_dst_a, att_src_a, att_dst_a)
    ei = ei_a.astype(jnp.int32)
    parts = _edge_call(tab_p, ei)
    out = _head(parts, bias_a, W_fc1, b_fc1, W_fc2, b_fc2, W_fc3, b_fc3)
    return out[0, :N].reshape(N, 1)

# --- scband reference (transcript-rebuilt; emitter-appended) ---
"""Pipeline reference for scband-gcn-38371237823056 (READ-ONLY COPY).

The authoritative reference and input builder live on the scoring server;
editing this copy changes nothing except your own understanding.
"""

import jax, jax.numpy as jnp
import numpy as np

N0 = 10000
N1 = 10000
E = 160000
D = 256


def _glorot(k, shape):
    fan = shape[0] + shape[-1]
    return jax.random.uniform(k, shape, jnp.float32, -1.0, 1.0) * np.sqrt(6.0 / fan)


def _gat(x_src, x_dst, src, dst, W_src, W_dst, att_src, att_dst, bias, n_dst):
    # PyG GATConv, heads=1, out_channels=2, add_self_loops=False
    h_src = x_src @ W_src
    h_dst = x_dst @ W_dst
    a_s = h_src @ att_src
    a_d = h_dst @ att_dst
    e = a_s[src] + a_d[dst]
    e = jnp.where(e > 0, e, 0.2 * e)  # leaky_relu(0.2)
    m = jax.ops.segment_max(e, dst, num_segments=n_dst)
    m = jnp.where(jnp.isfinite(m), m, 0.0)
    ex = jnp.exp(e - m[dst])
    denom = jax.ops.segment_sum(ex, dst, num_segments=n_dst)
    alpha = ex / (denom[dst] + 1e-16)
    out = jax.ops.segment_sum(h_src[src] * alpha[:, None], dst, num_segments=n_dst)
    return out + bias


def setup_inputs(seed: int = 0):
    key = jax.random.key(seed)
    ks = jax.random.split(key, 24)
    inp = {}
    inp['x_0'] = jax.random.normal(ks[0], (N0, D), jnp.float32)
    inp['x_1'] = jax.random.normal(ks[1], (N1, D), jnp.float32)
    inp['ei_a'] = jax.random.randint(ks[2], (2, E), 0, N1, jnp.int32)  # src type '0', dst type '1'
    inp['ei_b'] = jax.random.randint(ks[3], (2, E), 0, N0, jnp.int32)  # src type '1', dst type '0'
    # GATConv params for edge type ('0','a','1')
    inp['W_src_a'] = _glorot(ks[4], (D, 2))
    inp['W_dst_a'] = _glorot(ks[5], (D, 2))
    inp['att_src_a'] = _glorot(ks[6], (2,))
    inp['att_dst_a'] = _glorot(ks[7], (2,))
    inp['bias_a'] = jnp.zeros((2,), jnp.float32)
    # GATConv params for edge type ('1','b','0')
    inp['W_src_b'] = _glorot(ks[8], (D, 2))
    inp['W_dst_b'] = _glorot(ks[9], (D, 2))
    inp['att_src_b'] = _glorot(ks[10], (2,))
    inp['att_dst_b'] = _glorot(ks[11], (2,))
    inp['bias_b'] = jnp.zeros((2,), jnp.float32)
    # FC head: Linear(2,2)+ReLU, Linear(2,4)+ReLU, Linear(4,1)+Sigmoid
    inp['W_fc1'] = _glorot(ks[12], (2, 2))
    inp['b_fc1'] = jnp.zeros((2,), jnp.float32)
    inp['W_fc2'] = _glorot(ks[13], (2, 4))
    inp['b_fc2'] = jnp.zeros((4,), jnp.float32)
    inp['W_fc3'] = _glorot(ks[14], (4, 1))
    inp['b_fc3'] = jnp.zeros((1,), jnp.float32)
    return inp


def reference(x_0, x_1, ei_a, ei_b, W_src_a, W_dst_a, att_src_a, att_dst_a, bias_a, W_src_b, W_dst_b, att_src_b, att_dst_b, bias_b, W_fc1, b_fc1, W_fc2, b_fc2, W_fc3, b_fc3):
    # HeteroConv(aggr='sum') over both edge types, then ReLU per node type
    x1n = jax.nn.relu(_gat(x_0, x_1, ei_a[0], ei_a[1], W_src_a, W_dst_a, att_src_a, att_dst_a, bias_a, N1))
    x0n = jax.nn.relu(_gat(x_1, x_0, ei_b[0], ei_b[1], W_src_b, W_dst_b, att_src_b, att_dst_b, bias_b, N0))
    del x0n  # forward only keeps the first dict key ('1') for the FC head
    h = jax.nn.relu(x1n @ W_fc1 + b_fc1)
    h = jax.nn.relu(h @ W_fc2 + b_fc2)
    out = jax.nn.sigmoid(h @ W_fc3 + b_fc3)
    return out

if __name__ == "__main__":
    import jax
    _d = setup_inputs()
    print(jax.jit(kernel)(*tuple(_d.values())))

</pallas_src>

<mosaic_0001>
#map = affine_map<(d0, d1) -> (0, 0)>
module attributes {stable_mosaic.version = 14 : i64} {
  func.func @_edge_body(%arg0: i32, %arg1: i32, %arg2: memref<4x10112xf32, #tpu.memory_space<hbm>>, %arg3: memref<2x160000xi32, #tpu.memory_space<hbm>>, %arg4: memref<2x30336xf32, #tpu.memory_space<hbm>>, %arg5: memref<4x10112xf32, #tpu.memory_space<vmem>>, %arg6: memref<5120xi32, #tpu.memory_space<vmem>>, %arg7: memref<5120xi32, #tpu.memory_space<vmem>>, %arg8: memref<40x128xi32, #tpu.memory_space<vmem>>, %arg9: memref<40x128xi32, #tpu.memory_space<vmem>>, %arg10: memref<40x128xi32, #tpu.memory_space<vmem>>, %arg11: memref<40x128xf32, #tpu.memory_space<vmem>>, %arg12: memref<40x128xf32, #tpu.memory_space<vmem>>, %arg13: memref<40x128xf32, #tpu.memory_space<vmem>>, %arg14: memref<3792xf32, #tpu.memory_space<vmem>>, %arg15: memref<30336xf32, #tpu.memory_space<vmem_shared>>, %arg16: memref<!tpu.dma_semaphore, #tpu.memory_space<semaphore_mem>>) attributes {dimension_semantics = [#tpu.dimension_semantics<core_parallel>, #tpu.dimension_semantics<subcore_parallel>], iteration_bounds = array<i64: 2, 16>, scalar_prefetch = 0 : i64, scratch_operands = 12 : i64, tpu.core_type = #tpu.core_type<sc_vector_subcore>, window_params = [{transform_indices = #map}, {transform_indices = #map}, {transform_indices = #map}]} {
    %mul3A = arith.constant 2 : i32
    %mul3A_0 = arith.muli %arg1, %mul3A : i32
    %add3A = arith.addi %mul3A_0, %arg0 : i32
    %mul3A_1 = arith.constant 40 : i32
    %mul3A_2 = arith.muli %add3A, %mul3A_1 : i32
    %mul3A_3 = arith.constant 128 : i32
    %mul3A_4 = arith.muli %mul3A_2, %mul3A_3 : i32
    %eq3A = arith.constant 31 : i32
    %eq3A_5 = arith.cmpi eq, %add3A, %eq3A : i32
    %jit3A = arith.constant 10 : i32
    %jit3A_6 = arith.constant 40 : i32
    %select_n3A = arith.select %eq3A_5, %jit3A, %jit3A_6 : i32
    "tpu.region"() ({
      %run_scoped3A = tpu.sem_alloc : memref<!tpu.dma_semaphore, #tpu.memory_space<semaphore_mem>>
      tpu.enqueue_dma source(%arg2 : memref<4x10112xf32, #tpu.memory_space<hbm>>) target(%arg5 : memref<4x10112xf32, #tpu.memory_space<vmem>>) target_semaphore(%run_scoped3A : memref<!tpu.dma_semaphore, #tpu.memory_space<semaphore_mem>>)
      tpu.wait_dma2 semaphore(%run_scoped3A : memref<!tpu.dma_semaphore, #tpu.memory_space<semaphore_mem>>) src(%arg2 : memref<4x10112xf32, #tpu.memory_space<hbm>>) dst(%arg5 : memref<4x10112xf32, #tpu.memory_space<vmem>>)
      tpu.yield
    }) : () -> ()
    %not3A = arith.constant true
    %not3A_7 = arith.xori %eq3A_5, %not3A : i1
    %convert_element_type3A = arith.extui %not3A_7 : i1 to i32
    %cond3A = arith.constant 0 : i32
    %cond3A_8 = arith.cmpi ne, %convert_element_type3A, %cond3A : i32
    scf.if %cond3A_8 {
      %run_scoped3A = arith.constant 0 : i32
      "tpu.region"() ({
        %run_scoped3A_54 = tpu.sem_alloc : memref<!tpu.dma_semaphore, #tpu.memory_space<semaphore_mem>>
        %dma_start3A = tpu.memref_slice %arg3[%run_scoped3A, %mul3A_4] : memref<2x160000xi32, #tpu.memory_space<hbm>> -> memref<1x5120xi32, #tpu.memory_space<hbm>>
        %dma_start3A_55 = tpu.memref_squeeze %dma_start3A : memref<1x5120xi32, #tpu.memory_space<hbm>> -> memref<5120xi32, #tpu.memory_space<hbm>>
        %dma_start3A_56 = tpu.memref_slice %arg3[%run_scoped3A, %mul3A_4] : memref<2x160000xi32, #tpu.memory_space<hbm>> -> memref<1x5120xi32, #tpu.memory_space<hbm>>
        %dma_start3A_57 = tpu.memref_squeeze %dma_start3A_56 : memref<1x5120xi32, #tpu.memory_space<hbm>> -> memref<5120xi32, #tpu.memory_space<hbm>>
        tpu.enqueue_dma source(%dma_start3A_57 : memref<5120xi32, #tpu.memory_space<hbm>>) target(%arg6 : memref<5120xi32, #tpu.memory_space<vmem>>) target_semaphore(%run_scoped3A_54 : memref<!tpu.dma_semaphore, #tpu.memory_space<semaphore_mem>>)
        %dma_wait3A = tpu.memref_slice %arg3[%run_scoped3A, %mul3A_4] : memref<2x160000xi32, #tpu.memory_space<hbm>> -> memref<1x5120xi32, #tpu.memory_space<hbm>>
        %dma_wait3A_58 = tpu.memref_squeeze %dma_wait3A : memref<1x5120xi32, #tpu.memory_space<hbm>> -> memref<5120xi32, #tpu.memory_space<hbm>>
        %dma_wait3A_59 = tpu.memref_slice %arg3[%run_scoped3A, %mul3A_4] : memref<2x160000xi32, #tpu.memory_space<hbm>> -> memref<1x5120xi32, #tpu.memory_space<hbm>>
        %dma_wait3A_60 = tpu.memref_squeeze %dma_wait3A_59 : memref<1x5120xi32, #tpu.memory_space<hbm>> -> memref<5120xi32, #tpu.memory_space<hbm>>
        tpu.wait_dma2 semaphore(%run_scoped3A_54 : memref<!tpu.dma_semaphore, #tpu.memory_space<semaphore_mem>>) src(%dma_wait3A_60 : memref<5120xi32, #tpu.memory_space<hbm>>) dst(%arg6 : memref<5120xi32, #tpu.memory_space<vmem>>)
        tpu.yield
      }) : () -> ()
      %run_scoped3A_53 = arith.constant 1 : i32
      "tpu.region"() ({
        %run_scoped3A_54 = tpu.sem_alloc : memref<!tpu.dma_semaphore, #tpu.memory_space<semaphore_mem>>
        %dma_start3A = tpu.memref_slice %arg3[%run_scoped3A_53, %mul3A_4] : memref<2x160000xi32, #tpu.memory_space<hbm>> -> memref<1x5120xi32, #tpu.memory_space<hbm>>
        %dma_start3A_55 = tpu.memref_squeeze %dma_start3A : memref<1x5120xi32, #tpu.memory_space<hbm>> -> memref<5120xi32, #tpu.memory_space<hbm>>
        %dma_start3A_56 = tpu.memref_slice %arg3[%run_scoped3A_53, %mul3A_4] : memref<2x160000xi32, #tpu.memory_space<hbm>> -> memref<1x5120xi32, #tpu.memory_space<hbm>>
        %dma_start3A_57 = tpu.memref_squeeze %dma_start3A_56 : memref<1x5120xi32, #tpu.memory_space<hbm>> -> memref<5120xi32, #tpu.memory_space<hbm>>
        tpu.enqueue_dma source(%dma_start3A_57 : memref<5120xi32, #tpu.memory_space<hbm>>) target(%arg7 : memref<5120xi32, #tpu.memory_space<vmem>>) target_semaphore(%run_scoped3A_54 : memref<!tpu.dma_semaphore, #tpu.memory_space<semaphore_mem>>)
        %dma_wait3A = tpu.memref_slice %arg3[%run_scoped3A_53, %mul3A_4] : memref<2x160000xi32, #tpu.memory_space<hbm>> -> memref<1x5120xi32, #tpu.memory_space<hbm>>
        %dma_wait3A_58 = tpu.memref_squeeze %dma_wait3A : memref<1x5120xi32, #tpu.memory_space<hbm>> -> memref<5120xi32, #tpu.memory_space<hbm>>
        %dma_wait3A_59 = tpu.memref_slice %arg3[%run_scoped3A_53, %mul3A_4] : memref<2x160000xi32, #tpu.memory_space<hbm>> -> memref<1x5120xi32, #tpu.memory_space<hbm>>
        %dma_wait3A_60 = tpu.memref_squeeze %dma_wait3A_59 : memref<1x5120xi32, #tpu.memory_space<hbm>> -> memref<5120xi32, #tpu.memory_space<hbm>>
        tpu.wait_dma2 semaphore(%run_scoped3A_54 : memref<!tpu.dma_semaphore, #tpu.memory_space<semaphore_mem>>) src(%dma_wait3A_60 : memref<5120xi32, #tpu.memory_space<hbm>>) dst(%arg7 : memref<5120xi32, #tpu.memory_space<vmem>>)
        tpu.yield
      }) : () -> ()
    } else {
    }
    %convert_element_type3A_9 = arith.extui %eq3A_5 : i1 to i32
    %cond3A_10 = arith.constant 0 : i32
    %cond3A_11 = arith.cmpi ne, %convert_element_type3A_9, %cond3A_10 : i32
    scf.if %cond3A_11 {
      %run_scoped3A = arith.constant 0 : i32
      "tpu.region"() ({
        %run_scoped3A_54 = tpu.sem_alloc : memref<!tpu.dma_semaphore, #tpu.memory_space<semaphore_mem>>
        %dma_start3A = arith.constant 0 : i32
        %dma_start3A_55 = tpu.memref_slice %arg6[%dma_start3A] : memref<5120xi32, #tpu.memory_space<vmem>> -> memref<1280xi32, #tpu.memory_space<vmem>>
        %dma_start3A_56 = tpu.memref_slice %arg3[%run_scoped3A, %mul3A_4] : memref<2x160000xi32, #tpu.memory_space<hbm>> -> memref<1x1280xi32, #tpu.memory_space<hbm>>
        %dma_start3A_57 = tpu.memref_squeeze %dma_start3A_56 : memref<1x1280xi32, #tpu.memory_space<hbm>> -> memref<1280xi32, #tpu.memory_space<hbm>>
        %dma_start3A_58 = arith.constant 0 : i32
        %dma_start3A_59 = tpu.memref_slice %arg6[%dma_start3A_58] : memref<5120xi32, #tpu.memory_space<vmem>> -> memref<1280xi32, #tpu.memory_space<vmem>>
        %dma_start3A_60 = tpu.memref_slice %arg3[%run_scoped3A, %mul3A_4] : memref<2x160000xi32, #tpu.memory_space<hbm>> -> memref<1x1280xi32, #tpu.memory_space<hbm>>
        %dma_start3A_61 = tpu.memref_squeeze %dma_start3A_60 : memref<1x1280xi32, #tpu.memory_space<hbm>> -> memref<1280xi32, #tpu.memory_space<hbm>>
        tpu.enqueue_dma source(%dma_start3A_61 : memref<1280xi32, #tpu.memory_space<hbm>>) target(%dma_start3A_59 : memref<1280xi32, #tpu.memory_space<vmem>>) target_semaphore(%run_scoped3A_54 : memref<!tpu.dma_semaphore, #tpu.memory_space<semaphore_mem>>)
        %dma_wait3A = arith.constant 0 : i32
        %dma_wait3A_62 = tpu.memref_slice %arg6[%dma_wait3A] : memref<5120xi32, #tpu.memory_space<vmem>> -> memref<1280xi32, #tpu.memory_space<vmem>>
        %dma_wait3A_63 = tpu.memref_slice %arg3[%run_scoped3A, %mul3A_4] : memref<2x160000xi32, #tpu.memory_space<hbm>> -> memref<1x1280xi32, #tpu.memory_space<hbm>>
        %dma_wait3A_64 = tpu.memref_squeeze %dma_wait3A_63 : memref<1x1280xi32, #tpu.memory_space<hbm>> -> memref<1280xi32, #tpu.memory_space<hbm>>
        %dma_wait3A_65 = arith.constant 0 : i32
        %dma_wait3A_66 = tpu.memref_slice %arg6[%dma_wait3A_65] : memref<5120xi32, #tpu.memory_space<vmem>> -> memref<1280xi32, #tpu.memory_space<vmem>>
        %dma_wait3A_67 = tpu.memref_slice %arg3[%run_scoped3A, %mul3A_4] : memref<2x160000xi32, #tpu.memory_space<hbm>> -> memref<1x1280xi32, #tpu.memory_space<hbm>>
        %dma_wait3A_68 = tpu.memref_squeeze %dma_wait3A_67 : memref<1x1280xi32, #tpu.memory_space<hbm>> -> memref<1280xi32, #tpu.memory_space<hbm>>
        tpu.wait_dma2 semaphore(%run_scoped3A_54 : memref<!tpu.dma_semaphore, #tpu.memory_space<semaphore_mem>>) src(%dma_wait3A_68 : memref<1280xi32, #tpu.memory_space<hbm>>) dst(%dma_wait3A_66 : memref<1280xi32, #tpu.memory_space<vmem>>)
        tpu.yield
      }) : () -> ()
      %run_scoped3A_53 = arith.constant 1 : i32
      "tpu.region"() ({
        %run_scoped3A_54 = tpu.sem_alloc : memref<!tpu.dma_semaphore, #tpu.memory_space<semaphore_mem>>
        %dma_start3A = arith.constant 0 : i32
        %dma_start3A_55 = tpu.memref_slice %arg7[%dma_start3A] : memref<5120xi32, #tpu.memory_space<vmem>> -> memref<1280xi32, #tpu.memory_space<vmem>>
        %dma_start3A_56 = tpu.memref_slice %arg3[%run_scoped3A_53, %mul3A_4] : memref<2x160000xi32, #tpu.memory_space<hbm>> -> memref<1x1280xi32, #tpu.memory_space<hbm>>
        %dma_start3A_57 = tpu.memref_squeeze %dma_start3A_56 : memref<1x1280xi32, #tpu.memory_space<hbm>> -> memref<1280xi32, #tpu.memory_space<hbm>>
        %dma_start3A_58 = arith.constant 0 : i32
        %dma_start3A_59 = tpu.memref_slice %arg7[%dma_start3A_58] : memref<5120xi32, #tpu.memory_space<vmem>> -> memref<1280xi32, #tpu.memory_space<vmem>>
        %dma_start3A_60 = tpu.memref_slice %arg3[%run_scoped3A_53, %mul3A_4] : memref<2x160000xi32, #tpu.memory_space<hbm>> -> memref<1x1280xi32, #tpu.memory_space<hbm>>
        %dma_start3A_61 = tpu.memref_squeeze %dma_start3A_60 : memref<1x1280xi32, #tpu.memory_space<hbm>> -> memref<1280xi32, #tpu.memory_space<hbm>>
        tpu.enqueue_dma source(%dma_start3A_61 : memref<1280xi32, #tpu.memory_space<hbm>>) target(%dma_start3A_59 : memref<1280xi32, #tpu.memory_space<vmem>>) target_semaphore(%run_scoped3A_54 : memref<!tpu.dma_semaphore, #tpu.memory_space<semaphore_mem>>)
        %dma_wait3A = arith.constant 0 : i32
        %dma_wait3A_62 = tpu.memref_slice %arg7[%dma_wait3A] : memref<5120xi32, #tpu.memory_space<vmem>> -> memref<1280xi32, #tpu.memory_space<vmem>>
        %dma_wait3A_63 = tpu.memref_slice %arg3[%run_scoped3A_53, %mul3A_4] : memref<2x160000xi32, #tpu.memory_space<hbm>> -> memref<1x1280xi32, #tpu.memory_space<hbm>>
        %dma_wait3A_64 = tpu.memref_squeeze %dma_wait3A_63 : memref<1x1280xi32, #tpu.memory_space<hbm>> -> memref<1280xi32, #tpu.memory_space<hbm>>
        %dma_wait3A_65 = arith.constant 0 : i32
        %dma_wait3A_66 = tpu.memref_slice %arg7[%dma_wait3A_65] : memref<5120xi32, #tpu.memory_space<vmem>> -> memref<1280xi32, #tpu.memory_space<vmem>>
        %dma_wait3A_67 = tpu.memref_slice %arg3[%run_scoped3A_53, %mul3A_4] : memref<2x160000xi32, #tpu.memory_space<hbm>> -> memref<1x1280xi32, #tpu.memory_space<hbm>>
        %dma_wait3A_68 = tpu.memref_squeeze %dma_wait3A_67 : memref<1x1280xi32, #tpu.memory_space<hbm>> -> memref<1280xi32, #tpu.memory_space<hbm>>
        tpu.wait_dma2 semaphore(%run_scoped3A_54 : memref<!tpu.dma_semaphore, #tpu.memory_space<semaphore_mem>>) src(%dma_wait3A_68 : memref<1280xi32, #tpu.memory_space<hbm>>) dst(%dma_wait3A_66 : memref<1280xi32, #tpu.memory_space<vmem>>)
        tpu.yield
      }) : () -> ()
    } else {
    }
    %eq3A_12 = arith.constant 0 : i32
    %eq3A_13 = arith.cmpi eq, %arg1, %eq3A_12 : i32
    %convert_element_type3A_14 = arith.extui %eq3A_13 : i1 to i32
    %cond3A_15 = arith.constant 0 : i32
    %cond3A_16 = arith.cmpi ne, %convert_element_type3A_14, %cond3A_15 : i32
    scf.if %cond3A_16 {
      %scan3A = arith.constant 0 : i32
      %scan3A_53 = arith.constant 0 : i32
      %scan3A_54 = arith.constant 237 : i32
      %scan3A_55 = arith.addi %scan3A_53, %scan3A_54 : i32
      %scan3A_56 = arith.constant 1 : i32
      scf.for %scan3A_64 = %scan3A_53 to %scan3A_55 step %scan3A_56  : i32 {
        %broadcast_in_dim3A_65 = arith.constant 0.000000e+00 : f32
        %broadcast_in_dim3A_66 = vector.broadcast %broadcast_in_dim3A_65 : f32 to vector<16xf32>
        %mul3A_67 = arith.constant 16 : i32
        %mul3A_68 = arith.muli %scan3A_64, %mul3A_67 : i32
        %swap3A = arith.index_cast %mul3A_68 : i32 to index
        %swap3A_69 = tpu.vector_load %arg14[%swap3A] {strides = array<i32>} : memref<3792xf32, #tpu.memory_space<vmem>>, vector<16xf32>,
        tpu.vector_store %arg14[%swap3A], %broadcast_in_dim3A_66 {strides = array<i32>} : memref<3792xf32, #tpu.memory_space<vmem>>, vector<16xf32>,
      }
      %scan3A_57 = arith.constant 237 : i32
      %scan3A_58 = arith.constant 0 : i32
      %scan3A_59 = arith.constant 0 : i32
      %scan3A_60 = arith.constant 8 : i32
      %scan3A_61 = arith.addi %scan3A_59, %scan3A_60 : i32
      %scan3A_62 = arith.constant 1 : i32
      scf.for %scan3A_64 = %scan3A_59 to %scan3A_61 step %scan3A_62  : i32 {
        %mul3A_65 = arith.constant 3792 : i32
        %mul3A_66 = arith.muli %scan3A_64, %mul3A_65 : i32
        "tpu.region"() ({
          %run_scoped3A = tpu.sem_alloc : memref<!tpu.dma_semaphore, #tpu.memory_space<semaphore_mem>>
          %dma_start3A = tpu.memref_slice %arg15[%mul3A_66] : memref<30336xf32, #tpu.memory_space<vmem_shared>> -> memref<3792xf32, #tpu.memory_space<vmem_shared>>
          %dma_start3A_67 = tpu.memref_slice %arg15[%mul3A_66] : memref<30336xf32, #tpu.memory_space<vmem_shared>> -> memref<3792xf32, #tpu.memory_space<vmem_shared>>
          tpu.enqueue_dma source(%arg14 : memref<3792xf32, #tpu.memory_space<vmem>>) target(%dma_start3A_67 : memref<3792xf32, #tpu.memory_space<vmem_shared>>) target_semaphore(%run_scoped3A : memref<!tpu.dma_semaphore, #tpu.memory_space<semaphore_mem>>)
          %dma_wait3A = tpu.memref_slice %arg15[%mul3A_66] : memref<30336xf32, #tpu.memory_space<vmem_shared>> -> memref<3792xf32, #tpu.memory_space<vmem_shared>>
          %dma_wait3A_68 = tpu.memref_slice %arg15[%mul3A_66] : memref<30336xf32, #tpu.memory_space<vmem_shared>> -> memref<3792xf32, #tpu.memory_space<vmem_shared>>
          tpu.wait_dma2 semaphore(%run_scoped3A : memref<!tpu.dma_semaphore, #tpu.memory_space<semaphore_mem>>) src(%arg14 : memref<3792xf32, #tpu.memory_space<vmem>>) dst(%dma_wait3A_68 : memref<3792xf32, #tpu.memory_space<vmem_shared>>)
          tpu.yield
        }) : () -> ()
      }
      %scan3A_63 = arith.constant 8 : i32
    } else {
    }
    %barrier3A = arith.constant 0 : index
    tpu.barrier barrier_id(%barrier3A)
    %broadcast_in_dim3A = arith.constant 0 : i32
    %broadcast_in_dim3A_17 = vector.broadcast %broadcast_in_dim3A : i32 to vector<16xi32>
    %add3A_18 = arith.constant 1 : i32
    %add3A_19 = vector.broadcast %add3A_18 : i32 to vector<16xi32>
    %add3A_20 = arith.addi %broadcast_in_dim3A_17, %add3A_19 : vector<16xi32>
    %add3A_21 = arith.constant 2 : i32
    %add3A_22 = vector.broadcast %add3A_21 : i32 to vector<16xi32>
    %add3A_23 = arith.addi %broadcast_in_dim3A_17, %add3A_22 : vector<16xi32>
    %add3A_24 = arith.constant 3 : i32
    %add3A_25 = vector.broadcast %add3A_24 : i32 to vector<16xi32>
    %add3A_26 = arith.addi %broadcast_in_dim3A_17, %add3A_25 : vector<16xi32>
    %while3A = arith.constant 0 : i32
    %while3A_27 = arith.constant 0 : i32
    %while3A_28 = arith.subi %select_n3A, %while3A_27 : i32
    %while3A_29 = arith.addi %while3A_27, %while3A_28 : i32
    %while3A_30 = arith.constant 1 : i32
    %while3A_31 = arith.divsi %while3A_28, %while3A_30 : i32
    %while3A_32 = arith.muli %while3A_31, %while3A_30 : i32
    %while3A_33 = arith.addi %while3A_27, %while3A_32 : i32
    %while3A_34 = arith.constant 1 : i32
    scf.for %while3A_53 = %while3A_27 to %while3A_33 step %while3A_34  : i32 {
      %mul3A_54 = arith.constant 128 : i32
      %mul3A_55 = arith.muli %while3A_53, %mul3A_54 : i32
      %add3A_56 = arith.constant 0 : i32
      %add3A_57 = arith.addi %mul3A_55, %add3A_56 : i32
      %get3A = arith.index_cast %add3A_57 : i32 to index
      %get3A_58 = tpu.vector_load %arg6[%get3A] {strides = array<i32>} : memref<5120xi32, #tpu.memory_space<vmem>>, vector<16xi32>,
      %get3A_59 = arith.index_cast %add3A_57 : i32 to index
      %get3A_60 = tpu.vector_load %arg7[%get3A_59] {strides = array<i32>} : memref<5120xi32, #tpu.memory_space<vmem>>, vector<16xi32>,
      %gather3A = tpu.vector_load_idx %arg5[%broadcast_in_dim3A_17, %get3A_58] : memref<4x10112xf32, #tpu.memory_space<vmem>>[vector<16xi32>, vector<16xi32>], vector<16xf32>,
      %gather3A_61 = tpu.vector_load_idx %arg5[%add3A_20, %get3A_60] : memref<4x10112xf32, #tpu.memory_space<vmem>>[vector<16xi32>, vector<16xi32>], vector<16xf32>,
      %gather3A_62 = tpu.vector_load_idx %arg5[%add3A_23, %get3A_58] : memref<4x10112xf32, #tpu.memory_space<vmem>>[vector<16xi32>, vector<16xi32>], vector<16xf32>,
      %gather3A_63 = tpu.vector_load_idx %arg5[%add3A_26, %get3A_58] : memref<4x10112xf32, #tpu.memory_space<vmem>>[vector<16xi32>, vector<16xi32>], vector<16xf32>,
      %add3A_64 = arith.addf %gather3A, %gather3A_61 : vector<16xf32>
      %gt3A = arith.constant 0.000000e+00 : f32
      %gt3A_65 = vector.broadcast %gt3A : f32 to vector<16xf32>
      %gt3A_66 = arith.cmpf ogt, %add3A_64, %gt3A_65 : vector<16xf32>
      %mul3A_67 = arith.constant 2.000000e-01 : f32
      %mul3A_68 = vector.broadcast %mul3A_67 : f32 to vector<16xf32>
      %mul3A_69 = arith.mulf %mul3A_68, %add3A_64 : vector<16xf32>
      %select_n3A_70 = arith.select %gt3A_66, %add3A_64, %mul3A_69 : vector<16xi1>, vector<16xf32>
      %exp3A = math.exp %select_n3A_70 : vector<16xf32>
      %swap3A = arith.index_cast %while3A_53 : i32 to index
      %swap3A_71 = arith.constant 0 : index
      %swap3A_72 = tpu.vector_load %arg11[%swap3A, %swap3A_71] {strides = array<i32>} : memref<40x128xf32, #tpu.memory_space<vmem>>, vector<16xf32>,
      tpu.vector_store %arg11[%swap3A, %swap3A_71], %exp3A {strides = array<i32>} : memref<40x128xf32, #tpu.memory_space<vmem>>, vector<16xf32>,
      %mul3A_73 = arith.mulf %exp3A, %gather3A_62 : vector<16xf32>
      %swap3A_74 = arith.index_cast %while3A_53 : i32 to index
      %swap3A_75 = arith.constant 0 : index
      %swap3A_76 = tpu.vector_load %arg12[%swap3A_74, %swap3A_75] {strides = array<i32>} : memref<40x128xf32, #tpu.memory_space<vmem>>, vector<16xf32>,
      tpu.vector_store %arg12[%swap3A_74, %swap3A_75], %mul3A_73 {strides = array<i32>} : memref<40x128xf32, #tpu.memory_space<vmem>>, vector<16xf32>,
      %mul3A_77 = arith.mulf %exp3A, %gather3A_63 : vector<16xf32>
      %swap3A_78 = arith.index_cast %while3A_53 : i32 to index
      %swap3A_79 = arith.constant 0 : index
      %swap3A_80 = tpu.vector_load %arg13[%swap3A_78, %swap3A_79] {strides = array<i32>} : memref<40x128xf32, #tpu.memory_space<vmem>>, vector<16xf32>,
      tpu.vector_store %arg13[%swap3A_78, %swap3A_79], %mul3A_77 {strides = array<i32>} : memref<40x128xf32, #tpu.memory_space<vmem>>, vector<16xf32>,
      %swap3A_81 = arith.index_cast %while3A_53 : i32 to index
      %swap3A_82 = arith.constant 0 : index
      %swap3A_83 = tpu.vector_load %arg8[%swap3A_81, %swap3A_82] {strides = array<i32>} : memref<40x128xi32, #tpu.memory_space<vmem>>, vector<16xi32>,
      tpu.vector_store %arg8[%swap3A_81, %swap3A_82], %get3A_60 {strides = array<i32>} : memref<40x128xi32, #tpu.memory_space<vmem>>, vector<16xi32>,
      %add3A_84 = arith.constant 10112 : i32
      %add3A_85 = vector.broadcast %add3A_84 : i32 to vector<16xi32>
      %add3A_86 = arith.addi %get3A_60, %add3A_85 : vector<16xi32>
      %swap3A_87 = arith.index_cast %while3A_53 : i32 to index
      %swap3A_88 = arith.constant 0 : index
      %swap3A_89 = tpu.vector_load %arg9[%swap3A_87, %swap3A_88] {strides = array<i32>} : memref<40x128xi32, #tpu.memory_space<vmem>>, vector<16xi32>,
      tpu.vector_store %arg9[%swap3A_87, %swap3A_88], %add3A_86 {strides = array<i32>} : memref<40x128xi32, #tpu.memory_space<vmem>>, vector<16xi32>,
      %add3A_90 = arith.constant 20224 : i32
      %add3A_91 = vector.broadcast %add3A_90 : i32 to vector<16xi32>
      %add3A_92 = arith.addi %get3A_60, %add3A_91 : vector<16xi32>
      %swap3A_93 = arith.index_cast %while3A_53 : i32 to index
      %swap3A_94 = arith.constant 0 : index
      %swap3A_95 = tpu.vector_load %arg10[%swap3A_93, %swap3A_94] {strides = array<i32>} : memref<40x128xi32, #tpu.memory_space<vmem>>, vector<16xi32>,
      tpu.vector_store %arg10[%swap3A_93, %swap3A_94], %add3A_92 {strides = array<i32>} : memref<40x128xi32, #tpu.memory_space<vmem>>, vector<16xi32>,
      %mul3A_96 = arith.constant 128 : i32
      %mul3A_97 = arith.muli %while3A_53, %mul3A_96 : i32
      %add3A_98 = arith.constant 16 : i32
      %add3A_99 = arith.addi %mul3A_97, %add3A_98 : i32
      %get3A_100 = arith.index_cast %add3A_99 : i32 to index
      %get3A_101 = tpu.vector_load %arg6[%get3A_100] {strides = array<i32>} : memref<5120xi32, #tpu.memory_space<vmem>>, vector<16xi32>,
      %get3A_102 = arith.index_cast %add3A_99 : i32 to index
      %get3A_103 = tpu.vector_load %arg7[%get3A_102] {strides = array<i32>} : memref<5120xi32, #tpu.memory_space<vmem>>, vector<16xi32>,
      %gather3A_104 = tpu.vector_load_idx %arg5[%broadcast_in_dim3A_17, %get3A_101] : memref<4x10112xf32, #tpu.memory_space<vmem>>[vector<16xi32>, vector<16xi32>], vector<16xf32>,
      %gather3A_105 = tpu.vector_load_idx %arg5[%add3A_20, %get3A_103] : memref<4x10112xf32, #tpu.memory_space<vmem>>[vector<16xi32>, vector<16xi32>], vector<16xf32>,
      %gather3A_106 = tpu.vector_load_idx %arg5[%add3A_23, %get3A_101] : memref<4x10112xf32, #tpu.memory_space<vmem>>[vector<16xi32>, vector<16xi32>], vector<16xf32>,
      %gather3A_107 = tpu.vector_load_idx %arg5[%add3A_26, %get3A_101] : memref<4x10112xf32, #tpu.memory_space<vmem>>[vector<16xi32>, vector<16xi32>], vector<16xf32>,
      %add3A_108 = arith.addf %gather3A_104, %gather3A_105 : vector<16xf32>
      %gt3A_109 = arith.constant 0.000000e+00 : f32
      %gt3A_110 = vector.broadcast %gt3A_109 : f32 to vector<16xf32>
      %gt3A_111 = arith.cmpf ogt, %add3A_108, %gt3A_110 : vector<16xf32>
      %mul3A_112 = arith.constant 2.000000e-01 : f32
      %mul3A_113 = vector.broadcast %mul3A_112 : f32 to vector<16xf32>
      %mul3A_114 = arith.mulf %mul3A_113, %add3A_108 : vector<16xf32>
      %select_n3A_115 = arith.select %gt3A_111, %add3A_108, %mul3A_114 : vector<16xi1>, vector<16xf32>
      %exp3A_116 = math.exp %select_n3A_115 : vector<16xf32>
      %swap3A_117 = arith.index_cast %while3A_53 : i32 to index
      %swap3A_118 = arith.constant 16 : index
      %swap3A_119 = tpu.vector_load %arg11[%swap3A_117, %swap3A_118] {strides = array<i32>} : memref<40x128xf32, #tpu.memory_space<vmem>>, vector<16xf32>,
      tpu.vector_store %arg11[%swap3A_117, %swap3A_118], %exp3A_116 {strides = array<i32>} : memref<40x128xf32, #tpu.memory_space<vmem>>, vector<16xf32>,
      %mul3A_120 = arith.mulf %exp3A_116, %gather3A_106 : vector<16xf32>
      %swap3A_121 = arith.index_cast %while3A_53 : i32 to index
      %swap3A_122 = arith.constant 16 : index
      %swap3A_123 = tpu.vector_load %arg12[%swap3A_121, %swap3A_122] {strides = array<i32>} : memref<40x128xf32, #tpu.memory_space<vmem>>, vector<16xf32>,
      tpu.vector_store %arg12[%swap3A_121, %swap3A_122], %mul3A_120 {strides = array<i32>} : memref<40x128xf32, #tpu.memory_space<vmem>>, vector<16xf32>,
      %mul3A_124 = arith.mulf %exp3A_116, %gather3A_107 : vector<16xf32>
      %swap3A_125 = arith.index_cast %while3A_53 : i32 to index
      %swap3A_126 = arith.constant 16 : index
      %swap3A_127 = tpu.vector_load %arg13[%swap3A_125, %swap3A_126] {strides = array<i32>} : memref<40x128xf32, #tpu.memory_space<vmem>>, vector<16xf32>,
      tpu.vector_store %arg13[%swap3A_125, %swap3A_126], %mul3A_124 {strides = array<i32>} : memref<40x128xf32, #tpu.memory_space<vmem>>, vector<16xf32>,
      %swap3A_128 = arith.index_cast %while3A_53 : i32 to index
      %swap3A_129 = arith.constant 16 : index
      %swap3A_130 = tpu.vector_load %arg8[%swap3A_128, %swap3A_129] {strides = array<i32>} : memref<40x128xi32, #tpu.memory_space<vmem>>, vector<16xi32>,
      tpu.vector_store %arg8[%swap3A_128, %swap3A_129], %get3A_103 {strides = array<i32>} : memref<40x128xi32, #tpu.memory_space<vmem>>, vector<16xi32>,
      %add3A_131 = arith.constant 10112 : i32
      %add3A_132 = vector.broadcast %add3A_131 : i32 to vector<16xi32>
      %add3A_133 = arith.addi %get3A_103, %add3A_132 : vector<16xi32>
      %swap3A_134 = arith.index_cast %while3A_53 : i32 to index
      %swap3A_135 = arith.constant 16 : index
      %swap3A_136 = tpu.vector_load %arg9[%swap3A_134, %swap3A_135] {strides = array<i32>} : memref<40x128xi32, #tpu.memory_space<vmem>>, vector<16xi32>,
      tpu.vector_store %arg9[%swap3A_134, %swap3A_135], %add3A_133 {strides = array<i32>} : memref<40x128xi32, #tpu.memory_space<vmem>>, vector<16xi32>,
      %add3A_137 = arith.constant 20224 : i32
      %add3A_138 = vector.broadcast %add3A_137 : i32 to vector<16xi32>
      %add3A_139 = arith.addi %get3A_103, %add3A_138 : vector<16xi32>
      %swap3A_140 = arith.index_cast %while3A_53 : i32 to index
      %swap3A_141 = arith.constant 16 : index
      %swap3A_142 = tpu.vector_load %arg10[%swap3A_140, %swap3A_141] {strides = array<i32>} : memref<40x128xi32, #tpu.memory_space<vmem>>, vector<16xi32>,
      tpu.vector_store %arg10[%swap3A_140, %swap3A_141], %add3A_139 {strides = array<i32>} : memref<40x128xi32, #tpu.memory_space<vmem>>, vector<16xi32>,
      %mul3A_143 = arith.constant 128 : i32
      %mul3A_144 = arith.muli %while3A_53, %mul3A_143 : i32
      %add3A_145 = arith.constant 32 : i32
      %add3A_146 = arith.addi %mul3A_144, %add3A_145 : i32
      %get3A_147 = arith.index_cast %add3A_146 : i32 to index
      %get3A_148 = tpu.vector_load %arg6[%get3A_147] {strides = array<i32>} : memref<5120xi32, #tpu.memory_space<vmem>>, vector<16xi32>,
      %get3A_149 = arith.index_cast %add3A_146 : i32 to index
      %get3A_150 = tpu.vector_load %arg7[%get3A_149] {strides = array<i32>} : memref<5120xi32, #tpu.memory_space<vmem>>, vector<16xi32>,
      %gather3A_151 = tpu.vector_load_idx %arg5[%broadcast_in_dim3A_17, %get3A_148] : memref<4x10112xf32, #tpu.memory_space<vmem>>[vector<16xi32>, vector<16xi32>], vector<16xf32>,
      %gather3A_152 = tpu.vector_load_idx %arg5[%add3A_20, %get3A_150] : memref<4x10112xf32, #tpu.memory_space<vmem>>[vector<16xi32>, vector<16xi32>], vector<16xf32>,
      %gather3A_153 = tpu.vector_load_idx %arg5[%add3A_23, %get3A_148] : memref<4x10112xf32, #tpu.memory_space<vmem>>[vector<16xi32>, vector<16xi32>], vector<16xf32>,
      %gather3A_154 = tpu.vector_load_idx %arg5[%add3A_26, %get3A_148] : memref<4x10112xf32, #tpu.memory_space<vmem>>[vector<16xi32>, vector<16xi32>], vector<16xf32>,
      %add3A_155 = arith.addf %gather3A_151, %gather3A_152 : vector<16xf32>
      %gt3A_156 = arith.constant 0.000000e+00 : f32
      %gt3A_157 = vector.broadcast %gt3A_156 : f32 to vector<16xf32>
      %gt3A_158 = arith.cmpf ogt, %add3A_155, %gt3A_157 : vector<16xf32>
      %mul3A_159 = arith.constant 2.000000e-01 : f32
      %mul3A_160 = vector.broadcast %mul3A_159 : f32 to vector<16xf32>
      %mul3A_161 = arith.mulf %mul3A_160, %add3A_155 : vector<16xf32>
      %select_n3A_162 = arith.select %gt3A_158, %add3A_155, %mul3A_161 : vector<16xi1>, vector<16xf32>
      %exp3A_163 = math.exp %select_n3A_162 : vector<16xf32>
      %swap3A_164 = arith.index_cast %while3A_53 : i32 to index
      %swap3A_165 = arith.constant 32 : index
      %swap3A_166 = tpu.vector_load %arg11[%swap3A_164, %swap3A_165] {strides = array<i32>} : memref<40x128xf32, #tpu.memory_space<vmem>>, vector<16xf32>,
      tpu.vector_store %arg11[%swap3A_164, %swap3A_165], %exp3A_163 {strides = array<i32>} : memref<40x128xf32, #tpu.memory_space<vmem>>, vector<16xf32>,
      %mul3A_167 = arith.mulf %exp3A_163, %gather3A_153 : vector<16xf32>
      %swap3A_168 = arith.index_cast %while3A_53 : i32 to index
      %swap3A_169 = arith.constant 32 : index
      %swap3A_170 = tpu.vector_load %arg12[%swap3A_168, %swap3A_169] {strides = array<i32>} : memref<40x128xf32, #tpu.memory_space<vmem>>, vector<16xf32>,
      tpu.vector_store %arg12[%swap3A_168, %swap3A_169], %mul3A_167 {strides = array<i32>} : memref<40x128xf32, #tpu.memory_space<vmem>>, vector<16xf32>,
      %mul3A_171 = arith.mulf %exp3A_163, %gather3A_154 : vector<16xf32>
      %swap3A_172 = arith.index_cast %while3A_53 : i32 to index
      %swap3A_173 = arith.constant 32 : index
      %swap3A_174 = tpu.vector_load %arg13[%swap3A_172, %swap3A_173] {strides = array<i32>} : memref<40x128xf32, #tpu.memory_space<vmem>>, vector<16xf32>,
      tpu.vector_store %arg13[%swap3A_172, %swap3A_173], %mul3A_171 {strides = array<i32>} : memref<40x128xf32, #tpu.memory_space<vmem>>, vector<16xf32>,
      %swap3A_175 = arith.index_cast %while3A_53 : i32 to index
      %swap3A_176 = arith.constant 32 : index
      %swap3A_177 = tpu.vector_load %arg8[%swap3A_175, %swap3A_176] {strides = array<i32>} : memref<40x128xi32, #tpu.memory_space<vmem>>, vector<16xi32>,
      tpu.vector_store %arg8[%swap3A_175, %swap3A_176], %get3A_150 {strides = array<i32>} : memref<40x128xi32, #tpu.memory_space<vmem>>, vector<16xi32>,
      %add3A_178 = arith.constant 10112 : i32
      %add3A_179 = vector.broadcast %add3A_178 : i32 to vector<16xi32>
      %add3A_180 = arith.addi %get3A_150, %add3A_179 : vector<16xi32>
      %swap3A_181 = arith.index_cast %while3A_53 : i32 to index
      %swap3A_182 = arith.constant 32 : index
      %swap3A_183 = tpu.vector_load %arg9[%swap3A_181, %swap3A_182] {strides = array<i32>} : memref<40x128xi32, #tpu.memory_space<vmem>>, vector<16xi32>,
      tpu.vector_store %arg9[%swap3A_181, %swap3A_182], %add3A_180 {strides = array<i32>} : memref<40x128xi32, #tpu.memory_space<vmem>>, vector<16xi32>,
      %add3A_184 = arith.constant 20224 : i32
      %add3A_185 = vector.broadcast %add3A_184 : i32 to vector<16xi32>
      %add3A_186 = arith.addi %get3A_150, %add3A_185 : vector<16xi32>
      %swap3A_187 = arith.index_cast %while3A_53 : i32 to index
      %swap3A_188 = arith.constant 32 : index
      %swap3A_189 = tpu.vector_load %arg10[%swap3A_187, %swap3A_188] {strides = array<i32>} : memref<40x128xi32, #tpu.memory_space<vmem>>, vector<16xi32>,
      tpu.vector_store %arg10[%swap3A_187, %swap3A_188], %add3A_186 {strides = array<i32>} : memref<40x128xi32, #tpu.memory_space<vmem>>, vector<16xi32>,
      %mul3A_190 = arith.constant 128 : i32
      %mul3A_191 = arith.muli %while3A_53, %mul3A_190 : i32
      %add3A_192 = arith.constant 48 : i32
      %add3A_193 = arith.addi %mul3A_191, %add3A_192 : i32
      %get3A_194 = arith.index_cast %add3A_193 : i32 to index
      %get3A_195 = tpu.vector_load %arg6[%get3A_194] {strides = array<i32>} : memref<5120xi32, #tpu.memory_space<vmem>>, vector<16xi32>,
      %get3A_196 = arith.index_cast %add3A_193 : i32 to index
      %get3A_197 = tpu.vector_load %arg7[%get3A_196] {strides = array<i32>} : memref<5120xi32, #tpu.memory_space<vmem>>, vector<16xi32>,
      %gather3A_198 = tpu.vector_load_idx %arg5[%broadcast_in_dim3A_17, %get3A_195] : memref<4x10112xf32, #tpu.memory_space<vmem>>[vector<16xi32>, vector<16xi32>], vector<16xf32>,
      %gather3A_199 = tpu.vector_load_idx %arg5[%add3A_20, %get3A_197] : memref<4x10112xf32, #tpu.memory_space<vmem>>[vector<16xi32>, vector<16xi32>], vector<16xf32>,
      %gather3A_200 = tpu.vector_load_idx %arg5[%add3A_23, %get3A_195] : memref<4x10112xf32, #tpu.memory_space<vmem>>[vector<16xi32>, vector<16xi32>], vector<16xf32>,
      %gather3A_201 = tpu.vector_load_idx %arg5[%add3A_26, %get3A_195] : memref<4x10112xf32, #tpu.memory_space<vmem>>[vector<16xi32>, vector<16xi32>], vector<16xf32>,
      %add3A_202 = arith.addf %gather3A_198, %gather3A_199 : vector<16xf32>
      %gt3A_203 = arith.constant 0.000000e+00 : f32
      %gt3A_204 = vector.broadcast %gt3A_203 : f32 to vector<16xf32>
      %gt3A_205 = arith.cmpf ogt, %add3A_202, %gt3A_204 : vector<16xf32>
      %mul3A_206 = arith.constant 2.000000e-01 : f32
      %mul3A_207 = vector.broadcast %mul3A_206 : f32 to vector<16xf32>
      %mul3A_208 = arith.mulf %mul3A_207, %add3A_202 : vector<16xf32>
      %select_n3A_209 = arith.select %gt3A_205, %add3A_202, %mul3A_208 : vector<16xi1>, vector<16xf32>
      %exp3A_210 = math.exp %select_n3A_209 : vector<16xf32>
      %swap3A_211 = arith.index_cast %while3A_53 : i32 to index
      %swap3A_212 = arith.constant 48 : index
      %swap3A_213 = tpu.vector_load %arg11[%swap3A_211, %swap3A_212] {strides = array<i32>} : memref<40x128xf32, #tpu.memory_space<vmem>>, vector<16xf32>,
      tpu.vector_store %arg11[%swap3A_211, %swap3A_212], %exp3A_210 {strides = array<i32>} : memref<40x128xf32, #tpu.memory_space<vmem>>, vector<16xf32>,
      %mul3A_214 = arith.mulf %exp3A_210, %gather3A_200 : vector<16xf32>
      %swap3A_215 = arith.index_cast %while3A_53 : i32 to index
      %swap3A_216 = arith.constant 48 : index
      %swap3A_217 = tpu.vector_load %arg12[%swap3A_215, %swap3A_216] {strides = array<i32>} : memref<40x128xf32, #tpu.memory_space<vmem>>, vector<16xf32>,
      tpu.vector_store %arg12[%swap3A_215, %swap3A_216], %mul3A_214 {strides = array<i32>} : memref<40x128xf32, #tpu.memory_space<vmem>>, vector<16xf32>,
      %mul3A_218 = arith.mulf %exp3A_210, %gather3A_201 : vector<16xf32>
      %swap3A_219 = arith.index_cast %while3A_53 : i32 to index
      %swap3A_220 = arith.constant 48 : index
      %swap3A_221 = tpu.vector_load %arg13[%swap3A_219, %swap3A_220] {strides = array<i32>} : memref<40x128xf32, #tpu.memory_space<vmem>>, vector<16xf32>,
      tpu.vector_store %arg13[%swap3A_219, %swap3A_220], %mul3A_218 {strides = array<i32>} : memref<40x128xf32, #tpu.memory_space<vmem>>, vector<16xf32>,
      %swap3A_222 = arith.index_cast %while3A_53 : i32 to index
      %swap3A_223 = arith.constant 48 : index
      %swap3A_224 = tpu.vector_load %arg8[%swap3A_222, %swap3A_223] {strides = array<i32>} : memref<40x128xi32, #tpu.memory_space<vmem>>, vector<16xi32>,
      tpu.vector_store %arg8[%swap3A_222, %swap3A_223], %get3A_197 {strides = array<i32>} : memref<40x128xi32, #tpu.memory_space<vmem>>, vector<16xi32>,
      %add3A_225 = arith.constant 10112 : i32
      %add3A_226 = vector.broadcast %add3A_225 : i32 to vector<16xi32>
      %add3A_227 = arith.addi %get3A_197, %add3A_226 : vector<16xi32>
      %swap3A_228 = arith.index_cast %while3A_53 : i32 to index
      %swap3A_229 = arith.constant 48 : index
      %swap3A_230 = tpu.vector_load %arg9[%swap3A_228, %swap3A_229] {strides = array<i32>} : memref<40x128xi32, #tpu.memory_space<vmem>>, vector<16xi32>,
      tpu.vector_store %arg9[%swap3A_228, %swap3A_229], %add3A_227 {strides = array<i32>} : memref<40x128xi32, #tpu.memory_space<vmem>>, vector<16xi32>,
      %add3A_231 = arith.constant 20224 : i32
      %add3A_232 = vector.broadcast %add3A_231 : i32 to vector<16xi32>
      %add3A_233 = arith.addi %get3A_197, %add3A_232 : vector<16xi32>
      %swap3A_234 = arith.index_cast %while3A_53 : i32 to index
      %swap3A_235 = arith.constant 48 : index
      %swap3A_236 = tpu.vector_load %arg10[%swap3A_234, %swap3A_235] {strides = array<i32>} : memref<40x128xi32, #tpu.memory_space<vmem>>, vector<16xi32>,
      tpu.vector_store %arg10[%swap3A_234, %swap3A_235], %add3A_233 {strides = array<i32>} : memref<40x128xi32, #tpu.memory_space<vmem>>, vector<16xi32>,
      %mul3A_237 = arith.constant 128 : i32
      %mul3A_238 = arith.muli %while3A_53, %mul3A_237 : i32
      %add3A_239 = arith.constant 64 : i32
      %add3A_240 = arith.addi %mul3A_238, %add3A_239 : i32
      %get3A_241 = arith.index_cast %add3A_240 : i32 to index
      %get3A_242 = tpu.vector_load %arg6[%get3A_241] {strides = array<i32>} : memref<5120xi32, #tpu.memory_space<vmem>>, vector<16xi32>,
      %get3A_243 = arith.index_cast %add3A_240 : i32 to index
      %get3A_244 = tpu.vector_load %arg7[%get3A_243] {strides = array<i32>} : memref<5120xi32, #tpu.memory_space<vmem>>, vector<16xi32>,
      %gather3A_245 = tpu.vector_load_idx %arg5[%broadcast_in_dim3A_17, %get3A_242] : memref<4x10112xf32, #tpu.memory_space<vmem>>[vector<16xi32>, vector<16xi32>], vector<16xf32>,
      %gather3A_246 = tpu.vector_load_idx %arg5[%add3A_20, %get3A_244] : memref<4x10112xf32, #tpu.memory_space<vmem>>[vector<16xi32>, vector<16xi32>], vector<16xf32>,
      %gather3A_247 = tpu.vector_load_idx %arg5[%add3A_23, %get3A_242] : memref<4x10112xf32, #tpu.memory_space<vmem>>[vector<16xi32>, vector<16xi32>], vector<16xf32>,
      %gather3A_248 = tpu.vector_load_idx %arg5[%add3A_26, %get3A_242] : memref<4x10112xf32, #tpu.memory_space<vmem>>[vector<16xi32>, vector<16xi32>], vector<16xf32>,
      %add3A_249 = arith.addf %gather3A_245, %gather3A_246 : vector<16xf32>
      %gt3A_250 = arith.constant 0.000000e+00 : f32
      %gt3A_251 = vector.broadcast %gt3A_250 : f32 to vector<16xf32>
      %gt3A_252 = arith.cmpf ogt, %add3A_249, %gt3A_251 : vector<16xf32>
      %mul3A_253 = arith.constant 2.000000e-01 : f32
      %mul3A_254 = vector.broadcast %mul3A_253 : f32 to vector<16xf32>
      %mul3A_255 = arith.mulf %mul3A_254, %add3A_249 : vector<16xf32>
      %select_n3A_256 = arith.select %gt3A_252, %add3A_249, %mul3A_255 : vector<16xi1>, vector<16xf32>
      %exp3A_257 = math.exp %select_n3A_256 : vector<16xf32>
      %swap3A_258 = arith.index_cast %while3A_53 : i32 to index
      %swap3A_259 = arith.constant 64 : index
      %swap3A_260 = tpu.vector_load %arg11[%swap3A_258, %swap3A_259] {strides = array<i32>} : memref<40x128xf32, #tpu.memory_space<vmem>>, vector<16xf32>,
      tpu.vector_store %arg11[%swap3A_258, %swap3A_259], %exp3A_257 {strides = array<i32>} : memref<40x128xf32, #tpu.memory_space<vmem>>, vector<16xf32>,
      %mul3A_261 = arith.mulf %exp3A_257, %gather3A_247 : vector<16xf32>
      %swap3A_262 = arith.index_cast %while3A_53 : i32 to index
      %swap3A_263 = arith.constant 64 : index
      %swap3A_264 = tpu.vector_load %arg12[%swap3A_262, %swap3A_263] {strides = array<i32>} : memref<40x128xf32, #tpu.memory_space<vmem>>, vector<16xf32>,
      tpu.vector_store %arg12[%swap3A_262, %swap3A_263], %mul3A_261 {strides = array<i32>} : memref<40x128xf32, #tpu.memory_space<vmem>>, vector<16xf32>,
      %mul3A_265 = arith.mulf %exp3A_257, %gather3A_248 : vector<16xf32>
      %swap3A_266 = arith.index_cast %while3A_53 : i32 to index
      %swap3A_267 = arith.constant 64 : index
      %swap3A_268 = tpu.vector_load %arg13[%swap3A_266, %swap3A_267] {strides = array<i32>} : memref<40x128xf32, #tpu.memory_space<vmem>>, vector<16xf32>,
      tpu.vector_store %arg13[%swap3A_266, %swap3A_267], %mul3A_265 {strides = array<i32>} : memref<40x128xf32, #tpu.memory_space<vmem>>, vector<16xf32>,
      %swap3A_269 = arith.index_cast %while3A_53 : i32 to index
      %swap3A_270 = arith.constant 64 : index
      %swap3A_271 = tpu.vector_load %arg8[%swap3A_269, %swap3A_270] {strides = array<i32>} : memref<40x128xi32, #tpu.memory_space<vmem>>, vector<16xi32>,
      tpu.vector_store %arg8[%swap3A_269, %swap3A_270], %get3A_244 {strides = array<i32>} : memref<40x128xi32, #tpu.memory_space<vmem>>, vector<16xi32>,
      %add3A_272 = arith.constant 10112 : i32
      %add3A_273 = vector.broadcast %add3A_272 : i32 to vector<16xi32>
      %add3A_274 = arith.addi %get3A_244, %add3A_273 : vector<16xi32>
      %swap3A_275 = arith.index_cast %while3A_53 : i32 to index
      %swap3A_276 = arith.constant 64 : index
      %swap3A_277 = tpu.vector_load %arg9[%swap3A_275, %swap3A_276] {strides = array<i32>} : memref<40x128xi32, #tpu.memory_space<vmem>>, vector<16xi32>,
      tpu.vector_store %arg9[%swap3A_275, %swap3A_276], %add3A_274 {strides = array<i32>} : memref<40x128xi32, #tpu.memory_space<vmem>>, vector<16xi32>,
      %add3A_278 = arith.constant 20224 : i32
      %add3A_279 = vector.broadcast %add3A_278 : i32 to vector<16xi32>
      %add3A_280 = arith.addi %get3A_244, %add3A_279 : vector<16xi32>
      %swap3A_281 = arith.index_cast %while3A_53 : i32 to index
      %swap3A_282 = arith.constant 64 : index
      %swap3A_283 = tpu.vector_load %arg10[%swap3A_281, %swap3A_282] {strides = array<i32>} : memref<40x128xi32, #tpu.memory_space<vmem>>, vector<16xi32>,
      tpu.vector_store %arg10[%swap3A_281, %swap3A_282], %add3A_280 {strides = array<i32>} : memref<40x128xi32, #tpu.memory_space<vmem>>, vector<16xi32>,
      %mul3A_284 = arith.constant 128 : i32
      %mul3A_285 = arith.muli %while3A_53, %mul3A_284 : i32
      %add3A_286 = arith.constant 80 : i32
      %add3A_287 = arith.addi %mul3A_285, %add3A_286 : i32
      %get3A_288 = arith.index_cast %add3A_287 : i32 to index
      %get3A_289 = tpu.vector_load %arg6[%get3A_288] {strides = array<i32>} : memref<5120xi32, #tpu.memory_space<vmem>>, vector<16xi32>,
      %get3A_290 = arith.index_cast %add3A_287 : i32 to index
      %get3A_291 = tpu.vector_load %arg7[%get3A_290] {strides = array<i32>} : memref<5120xi32, #tpu.memory_space<vmem>>, vector<16xi32>,
      %gather3A_292 = tpu.vector_load_idx %arg5[%broadcast_in_dim3A_17, %get3A_289] : memref<4x10112xf32, #tpu.memory_space<vmem>>[vector<16xi32>, vector<16xi32>], vector<16xf32>,
      %gather3A_293 = tpu.vector_load_idx %arg5[%add3A_20, %get3A_291] : memref<4x10112xf32, #tpu.memory_space<vmem>>[vector<16xi32>, vector<16xi32>], vector<16xf32>,
      %gather3A_294 = tpu.vector_load_idx %arg5[%add3A_23, %get3A_289] : memref<4x10112xf32, #tpu.memory_space<vmem>>[vector<16xi32>, vector<16xi32>], vector<16xf32>,
      %gather3A_295 = tpu.vector_load_idx %arg5[%add3A_26, %get3A_289] : memref<4x10112xf32, #tpu.memory_space<vmem>>[vector<16xi32>, vector<16xi32>], vector<16xf32>,
      %add3A_296 = arith.addf %gather3A_292, %gather3A_293 : vector<16xf32>
      %gt3A_297 = arith.constant 0.000000e+00 : f32
      %gt3A_298 = vector.broadcast %gt3A_297 : f32 to vector<16xf32>
      %gt3A_299 = arith.cmpf ogt, %add3A_296, %gt3A_298 : vector<16xf32>
      %mul3A_300 = arith.constant 2.000000e-01 : f32
      %mul3A_301 = vector.broadcast %mul3A_300 : f32 to vector<16xf32>
      %mul3A_302 = arith.mulf %mul3A_301, %add3A_296 : vector<16xf32>
      %select_n3A_303 = arith.select %gt3A_299, %add3A_296, %mul3A_302 : vector<16xi1>, vector<16xf32>
      %exp3A_304 = math.exp %select_n3A_303 : vector<16xf32>
      %swap3A_305 = arith.index_cast %while3A_53 : i32 to index
      %swap3A_306 = arith.constant 80 : index
      %swap3A_307 = tpu.vector_load %arg11[%swap3A_305, %swap3A_306] {strides = array<i32>} : memref<40x128xf32, #tpu.memory_space<vmem>>, vector<16xf32>,
      tpu.vector_store %arg11[%swap3A_305, %swap3A_306], %exp3A_304 {strides = array<i32>} : memref<40x128xf32, #tpu.memory_space<vmem>>, vector<16xf32>,
      %mul3A_308 = arith.mulf %exp3A_304, %gather3A_294 : vector<16xf32>
      %swap3A_309 = arith.index_cast %while3A_53 : i32 to index
      %swap3A_310 = arith.constant 80 : index
      %swap3A_311 = tpu.vector_load %arg12[%swap3A_309, %swap3A_310] {strides = array<i32>} : memref<40x128xf32, #tpu.memory_space<vmem>>, vector<16xf32>,
      tpu.vector_store %arg12[%swap3A_309, %swap3A_310], %mul3A_308 {strides = array<i32>} : memref<40x128xf32, #tpu.memory_space<vmem>>, vector<16xf32>,
      %mul3A_312 = arith.mulf %exp3A_304, %gather3A_295 : vector<16xf32>
      %swap3A_313 = arith.index_cast %while3A_53 : i32 to index
      %swap3A_314 = arith.constant 80 : index
      %swap3A_315 = tpu.vector_load %arg13[%swap3A_313, %swap3A_314] {strides = array<i32>} : memref<40x128xf32, #tpu.memory_space<vmem>>, vector<16xf32>,
      tpu.vector_store %arg13[%swap3A_313, %swap3A_314], %mul3A_312 {strides = array<i32>} : memref<40x128xf32, #tpu.memory_space<vmem>>, vector<16xf32>,
      %swap3A_316 = arith.index_cast %while3A_53 : i32 to index
      %swap3A_317 = arith.constant 80 : index
      %swap3A_318 = tpu.vector_load %arg8[%swap3A_316, %swap3A_317] {strides = array<i32>} : memref<40x128xi32, #tpu.memory_space<vmem>>, vector<16xi32>,
      tpu.vector_store %arg8[%swap3A_316, %swap3A_317], %get3A_291 {strides = array<i32>} : memref<40x128xi32, #tpu.memory_space<vmem>>, vector<16xi32>,
      %add3A_319 = arith.constant 10112 : i32
      %add3A_320 = vector.broadcast %add3A_319 : i32 to vector<16xi32>
      %add3A_321 = arith.addi %get3A_291, %add3A_320 : vector<16xi32>
      %swap3A_322 = arith.index_cast %while3A_53 : i32 to index
      %swap3A_323 = arith.constant 80 : index
      %swap3A_324 = tpu.vector_load %arg9[%swap3A_322, %swap3A_323] {strides = array<i32>} : memref<40x128xi32, #tpu.memory_space<vmem>>, vector<16xi32>,
      tpu.vector_store %arg9[%swap3A_322, %swap3A_323], %add3A_321 {strides = array<i32>} : memref<40x128xi32, #tpu.memory_space<vmem>>, vector<16xi32>,
      %add3A_325 = arith.constant 20224 : i32
      %add3A_326 = vector.broadcast %add3A_325 : i32 to vector<16xi32>
      %add3A_327 = arith.addi %get3A_291, %add3A_326 : vector<16xi32>
      %swap3A_328 = arith.index_cast %while3A_53 : i32 to index
      %swap3A_329 = arith.constant 80 : index
      %swap3A_330 = tpu.vector_load %arg10[%swap3A_328, %swap3A_329] {strides = array<i32>} : memref<40x128xi32, #tpu.memory_space<vmem>>, vector<16xi32>,
      tpu.vector_store %arg10[%swap3A_328, %swap3A_329], %add3A_327 {strides = array<i32>} : memref<40x128xi32, #tpu.memory_space<vmem>>, vector<16xi32>,
      %mul3A_331 = arith.constant 128 : i32
      %mul3A_332 = arith.muli %while3A_53, %mul3A_331 : i32
      %add3A_333 = arith.constant 96 : i32
      %add3A_334 = arith.addi %mul3A_332, %add3A_333 : i32
      %get3A_335 = arith.index_cast %add3A_334 : i32 to index
      %get3A_336 = tpu.vector_load %arg6[%get3A_335] {strides = array<i32>} : memref<5120xi32, #tpu.memory_space<vmem>>, vector<16xi32>,
      %get3A_337 = arith.index_cast %add3A_334 : i32 to index
      %get3A_338 = tpu.vector_load %arg7[%get3A_337] {strides = array<i32>} : memref<5120xi32, #tpu.memory_space<vmem>>, vector<16xi32>,
      %gather3A_339 = tpu.vector_load_idx %arg5[%broadcast_in_dim3A_17, %get3A_336] : memref<4x10112xf32, #tpu.memory_space<vmem>>[vector<16xi32>, vector<16xi32>], vector<16xf32>,
      %gather3A_340 = tpu.vector_load_idx %arg5[%add3A_20, %get3A_338] : memref<4x10112xf32, #tpu.memory_space<vmem>>[vector<16xi32>, vector<16xi32>], vector<16xf32>,
      %gather3A_341 = tpu.vector_load_idx %arg5[%add3A_23, %get3A_336] : memref<4x10112xf32, #tpu.memory_space<vmem>>[vector<16xi32>, vector<16xi32>], vector<16xf32>,
      %gather3A_342 = tpu.vector_load_idx %arg5[%add3A_26, %get3A_336] : memref<4x10112xf32, #tpu.memory_space<vmem>>[vector<16xi32>, vector<16xi32>], vector<16xf32>,
      %add3A_343 = arith.addf %gather3A_339, %gather3A_340 : vector<16xf32>
      %gt3A_344 = arith.constant 0.000000e+00 : f32
      %gt3A_345 = vector.broadcast %gt3A_344 : f32 to vector<16xf32>
      %gt3A_346 = arith.cmpf ogt, %add3A_343, %gt3A_345 : vector<16xf32>
      %mul3A_347 = arith.constant 2.000000e-01 : f32
      %mul3A_348 = vector.broadcast %mul3A_347 : f32 to vector<16xf32>
      %mul3A_349 = arith.mulf %mul3A_348, %add3A_343 : vector<16xf32>
      %select_n3A_350 = arith.select %gt3A_346, %add3A_343, %mul3A_349 : vector<16xi1>, vector<16xf32>
      %exp3A_351 = math.exp %select_n3A_350 : vector<16xf32>
      %swap3A_352 = arith.index_cast %while3A_53 : i32 to index
      %swap3A_353 = arith.constant 96 : index
      %swap3A_354 = tpu.vector_load %arg11[%swap3A_352, %swap3A_353] {strides = array<i32>} : memref<40x128xf32, #tpu.memory_space<vmem>>, vector<16xf32>,
      tpu.vector_store %arg11[%swap3A_352, %swap3A_353], %exp3A_351 {strides = array<i32>} : memref<40x128xf32, #tpu.memory_space<vmem>>, vector<16xf32>,
      %mul3A_355 = arith.mulf %exp3A_351, %gather3A_341 : vector<16xf32>
      %swap3A_356 = arith.index_cast %while3A_53 : i32 to index
      %swap3A_357 = arith.constant 96 : index
      %swap3A_358 = tpu.vector_load %arg12[%swap3A_356, %swap3A_357] {strides = array<i32>} : memref<40x128xf32, #tpu.memory_space<vmem>>, vector<16xf32>,
      tpu.vector_store %arg12[%swap3A_356, %swap3A_357], %mul3A_355 {strides = array<i32>} : memref<40x128xf32, #tpu.memory_space<vmem>>, vector<16xf32>,
      %mul3A_359 = arith.mulf %exp3A_351, %gather3A_342 : vector<16xf32>
      %swap3A_360 = arith.index_cast %while3A_53 : i32 to index
      %swap3A_361 = arith.constant 96 : index
      %swap3A_362 = tpu.vector_load %arg13[%swap3A_360, %swap3A_361] {strides = array<i32>} : memref<40x128xf32, #tpu.memory_space<vmem>>, vector<16xf32>,
      tpu.vector_store %arg13[%swap3A_360, %swap3A_361], %mul3A_359 {strides = array<i32>} : memref<40x128xf32, #tpu.memory_space<vmem>>, vector<16xf32>,
      %swap3A_363 = arith.index_cast %while3A_53 : i32 to index
      %swap3A_364 = arith.constant 96 : index
      %swap3A_365 = tpu.vector_load %arg8[%swap3A_363, %swap3A_364] {strides = array<i32>} : memref<40x128xi32, #tpu.memory_space<vmem>>, vector<16xi32>,
      tpu.vector_store %arg8[%swap3A_363, %swap3A_364], %get3A_338 {strides = array<i32>} : memref<40x128xi32, #tpu.memory_space<vmem>>, vector<16xi32>,
      %add3A_366 = arith.constant 10112 : i32
      %add3A_367 = vector.broadcast %add3A_366 : i32 to vector<16xi32>
      %add3A_368 = arith.addi %get3A_338, %add3A_367 : vector<16xi32>
      %swap3A_369 = arith.index_cast %while3A_53 : i32 to index
      %swap3A_370 = arith.constant 96 : index
      %swap3A_371 = tpu.vector_load %arg9[%swap3A_369, %swap3A_370] {strides = array<i32>} : memref<40x128xi32, #tpu.memory_space<vmem>>, vector<16xi32>,
      tpu.vector_store %arg9[%swap3A_369, %swap3A_370], %add3A_368 {strides = array<i32>} : memref<40x128xi32, #tpu.memory_space<vmem>>, vector<16xi32>,
      %add3A_372 = arith.constant 20224 : i32
      %add3A_373 = vector.broadcast %add3A_372 : i32 to vector<16xi32>
      %add3A_374 = arith.addi %get3A_338, %add3A_373 : vector<16xi32>
      %swap3A_375 = arith.index_cast %while3A_53 : i32 to index
      %swap3A_376 = arith.constant 96 : index
      %swap3A_377 = tpu.vector_load %arg10[%swap3A_375, %swap3A_376] {strides = array<i32>} : memref<40x128xi32, #tpu.memory_space<vmem>>, vector<16xi32>,
      tpu.vector_store %arg10[%swap3A_375, %swap3A_376], %add3A_374 {strides = array<i32>} : memref<40x128xi32, #tpu.memory_space<vmem>>, vector<16xi32>,
      %mul3A_378 = arith.constant 128 : i32
      %mul3A_379 = arith.muli %while3A_53, %mul3A_378 : i32
      %add3A_380 = arith.constant 112 : i32
      %add3A_381 = arith.addi %mul3A_379, %add3A_380 : i32
      %get3A_382 = arith.index_cast %add3A_381 : i32 to index
      %get3A_383 = tpu.vector_load %arg6[%get3A_382] {strides = array<i32>} : memref<5120xi32, #tpu.memory_space<vmem>>, vector<16xi32>,
      %get3A_384 = arith.index_cast %add3A_381 : i32 to index
      %get3A_385 = tpu.vector_load %arg7[%get3A_384] {strides = array<i32>} : memref<5120xi32, #tpu.memory_space<vmem>>, vector<16xi32>,
      %gather3A_386 = tpu.vector_load_idx %arg5[%broadcast_in_dim3A_17, %get3A_383] : memref<4x10112xf32, #tpu.memory_space<vmem>>[vector<16xi32>, vector<16xi32>], vector<16xf32>,
      %gather3A_387 = tpu.vector_load_idx %arg5[%add3A_20, %get3A_385] : memref<4x10112xf32, #tpu.memory_space<vmem>>[vector<16xi32>, vector<16xi32>], vector<16xf32>,
      %gather3A_388 = tpu.vector_load_idx %arg5[%add3A_23, %get3A_383] : memref<4x10112xf32, #tpu.memory_space<vmem>>[vector<16xi32>, vector<16xi32>], vector<16xf32>,
      %gather3A_389 = tpu.vector_load_idx %arg5[%add3A_26, %get3A_383] : memref<4x10112xf32, #tpu.memory_space<vmem>>[vector<16xi32>, vector<16xi32>], vector<16xf32>,
      %add3A_390 = arith.addf %gather3A_386, %gather3A_387 : vector<16xf32>
      %gt3A_391 = arith.constant 0.000000e+00 : f32
      %gt3A_392 = vector.broadcast %gt3A_391 : f32 to vector<16xf32>
      %gt3A_393 = arith.cmpf ogt, %add3A_390, %gt3A_392 : vector<16xf32>
      %mul3A_394 = arith.constant 2.000000e-01 : f32
      %mul3A_395 = vector.broadcast %mul3A_394 : f32 to vector<16xf32>
      %mul3A_396 = arith.mulf %mul3A_395, %add3A_390 : vector<16xf32>
      %select_n3A_397 = arith.select %gt3A_393, %add3A_390, %mul3A_396 : vector<16xi1>, vector<16xf32>
      %exp3A_398 = math.exp %select_n3A_397 : vector<16xf32>
      %swap3A_399 = arith.index_cast %while3A_53 : i32 to index
      %swap3A_400 = arith.constant 112 : index
      %swap3A_401 = tpu.vector_load %arg11[%swap3A_399, %swap3A_400] {strides = array<i32>} : memref<40x128xf32, #tpu.memory_space<vmem>>, vector<16xf32>,
      tpu.vector_store %arg11[%swap3A_399, %swap3A_400], %exp3A_398 {strides = array<i32>} : memref<40x128xf32, #tpu.memory_space<vmem>>, vector<16xf32>,
      %mul3A_402 = arith.mulf %exp3A_398, %gather3A_388 : vector<16xf32>
      %swap3A_403 = arith.index_cast %while3A_53 : i32 to index
      %swap3A_404 = arith.constant 112 : index
      %swap3A_405 = tpu.vector_load %arg12[%swap3A_403, %swap3A_404] {strides = array<i32>} : memref<40x128xf32, #tpu.memory_space<vmem>>, vector<16xf32>,
      tpu.vector_store %arg12[%swap3A_403, %swap3A_404], %mul3A_402 {strides = array<i32>} : memref<40x128xf32, #tpu.memory_space<vmem>>, vector<16xf32>,
      %mul3A_406 = arith.mulf %exp3A_398, %gather3A_389 : vector<16xf32>
      %swap3A_407 = arith.index_cast %while3A_53 : i32 to index
      %swap3A_408 = arith.constant 112 : index
      %swap3A_409 = tpu.vector_load %arg13[%swap3A_407, %swap3A_408] {strides = array<i32>} : memref<40x128xf32, #tpu.memory_space<vmem>>, vector<16xf32>,
      tpu.vector_store %arg13[%swap3A_407, %swap3A_408], %mul3A_406 {strides = array<i32>} : memref<40x128xf32, #tpu.memory_space<vmem>>, vector<16xf32>,
      %swap3A_410 = arith.index_cast %while3A_53 : i32 to index
      %swap3A_411 = arith.constant 112 : index
      %swap3A_412 = tpu.vector_load %arg8[%swap3A_410, %swap3A_411] {strides = array<i32>} : memref<40x128xi32, #tpu.memory_space<vmem>>, vector<16xi32>,
      tpu.vector_store %arg8[%swap3A_410, %swap3A_411], %get3A_385 {strides = array<i32>} : memref<40x128xi32, #tpu.memory_space<vmem>>, vector<16xi32>,
      %add3A_413 = arith.constant 10112 : i32
      %add3A_414 = vector.broadcast %add3A_413 : i32 to vector<16xi32>
      %add3A_415 = arith.addi %get3A_385, %add3A_414 : vector<16xi32>
      %swap3A_416 = arith.index_cast %while3A_53 : i32 to index
      %swap3A_417 = arith.constant 112 : index
      %swap3A_418 = tpu.vector_load %arg9[%swap3A_416, %swap3A_417] {strides = array<i32>} : memref<40x128xi32, #tpu.memory_space<vmem>>, vector<16xi32>,
      tpu.vector_store %arg9[%swap3A_416, %swap3A_417], %add3A_415 {strides = array<i32>} : memref<40x128xi32, #tpu.memory_space<vmem>>, vector<16xi32>,
      %add3A_419 = arith.constant 20224 : i32
      %add3A_420 = vector.broadcast %add3A_419 : i32 to vector<16xi32>
      %add3A_421 = arith.addi %get3A_385, %add3A_420 : vector<16xi32>
      %swap3A_422 = arith.index_cast %while3A_53 : i32 to index
      %swap3A_423 = arith.constant 112 : index
      %swap3A_424 = tpu.vector_load %arg10[%swap3A_422, %swap3A_423] {strides = array<i32>} : memref<40x128xi32, #tpu.memory_space<vmem>>, vector<16xi32>,
      tpu.vector_store %arg10[%swap3A_422, %swap3A_423], %add3A_421 {strides = array<i32>} : memref<40x128xi32, #tpu.memory_space<vmem>>, vector<16xi32>,
      %dma_start3A = arith.constant 0 : i32
      %dma_start3A_425 = tpu.memref_slice %arg11[%while3A_53, %dma_start3A] : memref<40x128xf32, #tpu.memory_space<vmem>> -> memref<1x128xf32, #tpu.memory_space<vmem>>
      %dma_start3A_426 = tpu.memref_squeeze %dma_start3A_425 : memref<1x128xf32, #tpu.memory_space<vmem>> -> memref<128xf32, #tpu.memory_space<vmem>>
      %dma_start3A_427 = arith.constant 0 : i32
      %dma_start3A_428 = tpu.memref_slice %arg8[%while3A_53, %dma_start3A_427] : memref<40x128xi32, #tpu.memory_space<vmem>> -> memref<1x128xi32, #tpu.memory_space<vmem>>
      %dma_start3A_429 = tpu.memref_squeeze %dma_start3A_428 : memref<1x128xi32, #tpu.memory_space<vmem>> -> memref<128xi32, #tpu.memory_space<vmem>>
      %dma_start3A_430 = arith.constant 0 : i32
      %dma_start3A_431 = tpu.memref_slice %arg15[%dma_start3A_430] : memref<30336xf32, #tpu.memory_space<vmem_shared>> -> memref<30336xf32, #tpu.memory_space<vmem_shared>>
      tpu.enqueue_indirect_dma source(%dma_start3A_426 : memref<128xf32, #tpu.memory_space<vmem>>) target(%dma_start3A_431 : memref<30336xf32, #tpu.memory_space<vmem_shared>>) offsets(%dma_start3A_429 : memref<128xi32, #tpu.memory_space<vmem>>) semaphore(%arg16 : memref<!tpu.dma_semaphore, #tpu.memory_space<semaphore_mem>>) {add = true}
      %dma_start3A_432 = arith.constant 0 : i32
      %dma_start3A_433 = tpu.memref_slice %arg12[%while3A_53, %dma_start3A_432] : memref<40x128xf32, #tpu.memory_space<vmem>> -> memref<1x128xf32, #tpu.memory_space<vmem>>
      %dma_start3A_434 = tpu.memref_squeeze %dma_start3A_433 : memref<1x128xf32, #tpu.memory_space<vmem>> -> memref<128xf32, #tpu.memory_space<vmem>>
      %dma_start3A_435 = arith.constant 0 : i32
      %dma_start3A_436 = tpu.memref_slice %arg9[%while3A_53, %dma_start3A_435] : memref<40x128xi32, #tpu.memory_space<vmem>> -> memref<1x128xi32, #tpu.memory_space<vmem>>
      %dma_start3A_437 = tpu.memref_squeeze %dma_start3A_436 : memref<1x128xi32, #tpu.memory_space<vmem>> -> memref<128xi32, #tpu.memory_space<vmem>>
      %dma_start3A_438 = arith.constant 0 : i32
      %dma_start3A_439 = tpu.memref_slice %arg15[%dma_start3A_438] : memref<30336xf32, #tpu.memory_space<vmem_shared>> -> memref<30336xf32, #tpu.memory_space<vmem_shared>>
      tpu.enqueue_indirect_dma source(%dma_start3A_434 : memref<128xf32, #tpu.memory_space<vmem>>) target(%dma_start3A_439 : memref<30336xf32, #tpu.memory_space<vmem_shared>>) offsets(%dma_start3A_437 : memref<128xi32, #tpu.memory_space<vmem>>) semaphore(%arg16 : memref<!tpu.dma_semaphore, #tpu.memory_space<semaphore_mem>>) {add = true}
      %dma_start3A_440 = arith.constant 0 : i32
      %dma_start3A_441 = tpu.memref_slice %arg13[%while3A_53, %dma_start3A_440] : memref<40x128xf32, #tpu.memory_space<vmem>> -> memref<1x128xf32, #tpu.memory_space<vmem>>
      %dma_start3A_442 = tpu.memref_squeeze %dma_start3A_441 : memref<1x128xf32, #tpu.memory_space<vmem>> -> memref<128xf32, #tpu.memory_space<vmem>>
      %dma_start3A_443 = arith.constant 0 : i32
      %dma_start3A_444 = tpu.memref_slice %arg10[%while3A_53, %dma_start3A_443] : memref<40x128xi32, #tpu.memory_space<vmem>> -> memref<1x128xi32, #tpu.memory_space<vmem>>
      %dma_start3A_445 = tpu.memref_squeeze %dma_start3A_444 : memref<1x128xi32, #tpu.memory_space<vmem>> -> memref<128xi32, #tpu.memory_space<vmem>>
      %dma_start3A_446 = arith.constant 0 : i32
      %dma_start3A_447 = tpu.memref_slice %arg15[%dma_start3A_446] : memref<30336xf32, #tpu.memory_space<vmem_shared>> -> memref<30336xf32, #tpu.memory_space<vmem_shared>>
      tpu.enqueue_indirect_dma source(%dma_start3A_442 : memref<128xf32, #tpu.memory_space<vmem>>) target(%dma_start3A_447 : memref<30336xf32, #tpu.memory_space<vmem_shared>>) offsets(%dma_start3A_445 : memref<128xi32, #tpu.memory_space<vmem>>) semaphore(%arg16 : memref<!tpu.dma_semaphore, #tpu.memory_space<semaphore_mem>>) {add = true}
      %ge3A = arith.constant 8 : i32
      %ge3A_448 = arith.cmpi sge, %while3A_53, %ge3A : i32
      %convert_element_type3A_449 = arith.extui %ge3A_448 : i1 to i32
      %cond3A_450 = arith.constant 0 : i32
      %cond3A_451 = arith.cmpi ne, %convert_element_type3A_449, %cond3A_450 : i32
      scf.if %cond3A_451 {
        %sub3A_452 = arith.constant 8 : i32
        %sub3A_453 = arith.subi %while3A_53, %sub3A_452 : i32
        %dma_wait3A = arith.constant 0 : i32
        %dma_wait3A_454 = tpu.memref_slice %arg11[%sub3A_453, %dma_wait3A] : memref<40x128xf32, #tpu.memory_space<vmem>> -> memref<1x128xf32, #tpu.memory_space<vmem>>
        %dma_wait3A_455 = tpu.memref_squeeze %dma_wait3A_454 : memref<1x128xf32, #tpu.memory_space<vmem>> -> memref<128xf32, #tpu.memory_space<vmem>>
        %dma_wait3A_456 = arith.constant 0 : i32
        %dma_wait3A_457 = tpu.memref_slice %arg8[%sub3A_453, %dma_wait3A_456] : memref<40x128xi32, #tpu.memory_space<vmem>> -> memref<1x128xi32, #tpu.memory_space<vmem>>
        %dma_wait3A_458 = tpu.memref_squeeze %dma_wait3A_457 : memref<1x128xi32, #tpu.memory_space<vmem>> -> memref<128xi32, #tpu.memory_space<vmem>>
        %dma_wait3A_459 = arith.constant 0 : i32
        %dma_wait3A_460 = tpu.memref_slice %arg15[%dma_wait3A_459] : memref<30336xf32, #tpu.memory_space<vmem_shared>> -> memref<30336xf32, #tpu.memory_space<vmem_shared>>
        tpu.wait_indirect_dma semaphore(%arg16 : memref<!tpu.dma_semaphore, #tpu.memory_space<semaphore_mem>>) src(%dma_wait3A_455 : memref<128xf32, #tpu.memory_space<vmem>>) dst(%dma_wait3A_460 : memref<30336xf32, #tpu.memory_space<vmem_shared>>)
        %dma_wait3A_461 = arith.constant 0 : i32
        %dma_wait3A_462 = tpu.memref_slice %arg12[%sub3A_453, %dma_wait3A_461] : memref<40x128xf32, #tpu.memory_space<vmem>> -> memref<1x128xf32, #tpu.memory_space<vmem>>
        %dma_wait3A_463 = tpu.memref_squeeze %dma_wait3A_462 : memref<1x128xf32, #tpu.memory_space<vmem>> -> memref<128xf32, #tpu.memory_space<vmem>>
        %dma_wait3A_464 = arith.constant 0 : i32
        %dma_wait3A_465 = tpu.memref_slice %arg9[%sub3A_453, %dma_wait3A_464] : memref<40x128xi32, #tpu.memory_space<vmem>> -> memref<1x128xi32, #tpu.memory_space<vmem>>
        %dma_wait3A_466 = tpu.memref_squeeze %dma_wait3A_465 : memref<1x128xi32, #tpu.memory_space<vmem>> -> memref<128xi32, #tpu.memory_space<vmem>>
        %dma_wait3A_467 = arith.constant 0 : i32
        %dma_wait3A_468 = tpu.memref_slice %arg15[%dma_wait3A_467] : memref<30336xf32, #tpu.memory_space<vmem_shared>> -> memref<30336xf32, #tpu.memory_space<vmem_shared>>
        tpu.wait_indirect_dma semaphore(%arg16 : memref<!tpu.dma_semaphore, #tpu.memory_space<semaphore_mem>>) src(%dma_wait3A_463 : memref<128xf32, #tpu.memory_space<vmem>>) dst(%dma_wait3A_468 : memref<30336xf32, #tpu.memory_space<vmem_shared>>)
        %dma_wait3A_469 = arith.constant 0 : i32
        %dma_wait3A_470 = tpu.memref_slice %arg13[%sub3A_453, %dma_wait3A_469] : memref<40x128xf32, #tpu.memory_space<vmem>> -> memref<1x128xf32, #tpu.memory_space<vmem>>
        %dma_wait3A_471 = tpu.memref_squeeze %dma_wait3A_470 : memref<1x128xf32, #tpu.memory_space<vmem>> -> memref<128xf32, #tpu.memory_space<vmem>>
        %dma_wait3A_472 = arith.constant 0 : i32
        %dma_wait3A_473 = tpu.memref_slice %arg10[%sub3A_453, %dma_wait3A_472] : memref<40x128xi32, #tpu.memory_space<vmem>> -> memref<1x128xi32, #tpu.memory_space<vmem>>
        %dma_wait3A_474 = tpu.memref_squeeze %dma_wait3A_473 : memref<1x128xi32, #tpu.memory_space<vmem>> -> memref<128xi32, #tpu.memory_space<vmem>>
        %dma_wait3A_475 = arith.constant 0 : i32
        %dma_wait3A_476 = tpu.memref_slice %arg15[%dma_wait3A_475] : memref<30336xf32, #tpu.memory_space<vmem_shared>> -> memref<30336xf32, #tpu.memory_space<vmem_shared>>
        tpu.wait_indirect_dma semaphore(%arg16 : memref<!tpu.dma_semaphore, #tpu.memory_space<semaphore_mem>>) src(%dma_wait3A_471 : memref<128xf32, #tpu.memory_space<vmem>>) dst(%dma_wait3A_476 : memref<30336xf32, #tpu.memory_space<vmem_shared>>)
      } else {
      }
    }
    %while3A_35 = arith.constant 1 : i32
    scf.for %while3A_53 = %while3A_33 to %while3A_29 step %while3A_35  : i32 {
      %mul3A_54 = arith.constant 128 : i32
      %mul3A_55 = arith.muli %while3A_53, %mul3A_54 : i32
      %add3A_56 = arith.constant 0 : i32
      %add3A_57 = arith.addi %mul3A_55, %add3A_56 : i32
      %get3A = arith.index_cast %add3A_57 : i32 to index
      %get3A_58 = tpu.vector_load %arg6[%get3A] {strides = array<i32>} : memref<5120xi32, #tpu.memory_space<vmem>>, vector<16xi32>,
      %get3A_59 = arith.index_cast %add3A_57 : i32 to index
      %get3A_60 = tpu.vector_load %arg7[%get3A_59] {strides = array<i32>} : memref<5120xi32, #tpu.memory_space<vmem>>, vector<16xi32>,
      %gather3A = tpu.vector_load_idx %arg5[%broadcast_in_dim3A_17, %get3A_58] : memref<4x10112xf32, #tpu.memory_space<vmem>>[vector<16xi32>, vector<16xi32>], vector<16xf32>,
      %gather3A_61 = tpu.vector_load_idx %arg5[%add3A_20, %get3A_60] : memref<4x10112xf32, #tpu.memory_space<vmem>>[vector<16xi32>, vector<16xi32>], vector<16xf32>,
      %gather3A_62 = tpu.vector_load_idx %arg5[%add3A_23, %get3A_58] : memref<4x10112xf32, #tpu.memory_space<vmem>>[vector<16xi32>, vector<16xi32>], vector<16xf32>,
      %gather3A_63 = tpu.vector_load_idx %arg5[%add3A_26, %get3A_58] : memref<4x10112xf32, #tpu.memory_space<vmem>>[vector<16xi32>, vector<16xi32>], vector<16xf32>,
      %add3A_64 = arith.addf %gather3A, %gather3A_61 : vector<16xf32>
      %gt3A = arith.constant 0.000000e+00 : f32
      %gt3A_65 = vector.broadcast %gt3A : f32 to vector<16xf32>
      %gt3A_66 = arith.cmpf ogt, %add3A_64, %gt3A_65 : vector<16xf32>
      %mul3A_67 = arith.constant 2.000000e-01 : f32
      %mul3A_68 = vector.broadcast %mul3A_67 : f32 to vector<16xf32>
      %mul3A_69 = arith.mulf %mul3A_68, %add3A_64 : vector<16xf32>
      %select_n3A_70 = arith.select %gt3A_66, %add3A_64, %mul3A_69 : vector<16xi1>, vector<16xf32>
      %exp3A = math.exp %select_n3A_70 : vector<16xf32>
      %swap3A = arith.index_cast %while3A_53 : i32 to index
      %swap3A_71 = arith.constant 0 : index
      %swap3A_72 = tpu.vector_load %arg11[%swap3A, %swap3A_71] {strides = array<i32>} : memref<40x128xf32, #tpu.memory_space<vmem>>, vector<16xf32>,
      tpu.vector_store %arg11[%swap3A, %swap3A_71], %exp3A {strides = array<i32>} : memref<40x128xf32, #tpu.memory_space<vmem>>, vector<16xf32>,
      %mul3A_73 = arith.mulf %exp3A, %gather3A_62 : vector<16xf32>
      %swap3A_74 = arith.index_cast %while3A_53 : i32 to index
      %swap3A_75 = arith.constant 0 : index
      %swap3A_76 = tpu.vector_load %arg12[%swap3A_74, %swap3A_75] {strides = array<i32>} : memref<40x128xf32, #tpu.memory_space<vmem>>, vector<16xf32>,
      tpu.vector_store %arg12[%swap3A_74, %swap3A_75], %mul3A_73 {strides = array<i32>} : memref<40x128xf32, #tpu.memory_space<vmem>>, vector<16xf32>,
      %mul3A_77 = arith.mulf %exp3A, %gather3A_63 : vector<16xf32>
      %swap3A_78 = arith.index_cast %while3A_53 : i32 to index
      %swap3A_79 = arith.constant 0 : index
      %swap3A_80 = tpu.vector_load %arg13[%swap3A_78, %swap3A_79] {strides = array<i32>} : memref<40x128xf32, #tpu.memory_space<vmem>>, vector<16xf32>,
      tpu.vector_store %arg13[%swap3A_78, %swap3A_79], %mul3A_77 {strides = array<i32>} : memref<40x128xf32, #tpu.memory_space<vmem>>, vector<16xf32>,
      %swap3A_81 = arith.index_cast %while3A_53 : i32 to index
      %swap3A_82 = arith.constant 0 : index
      %swap3A_83 = tpu.vector_load %arg8[%swap3A_81, %swap3A_82] {strides = array<i32>} : memref<40x128xi32, #tpu.memory_space<vmem>>, vector<16xi32>,
      tpu.vector_store %arg8[%swap3A_81, %swap3A_82], %get3A_60 {strides = array<i32>} : memref<40x128xi32, #tpu.memory_space<vmem>>, vector<16xi32>,
      %add3A_84 = arith.constant 10112 : i32
      %add3A_85 = vector.broadcast %add3A_84 : i32 to vector<16xi32>
      %add3A_86 = arith.addi %get3A_60, %add3A_85 : vector<16xi32>
      %swap3A_87 = arith.index_cast %while3A_53 : i32 to index
      %swap3A_88 = arith.constant 0 : index
      %swap3A_89 = tpu.vector_load %arg9[%swap3A_87, %swap3A_88] {strides = array<i32>} : memref<40x128xi32, #tpu.memory_space<vmem>>, vector<16xi32>,
      tpu.vector_store %arg9[%swap3A_87, %swap3A_88], %add3A_86 {strides = array<i32>} : memref<40x128xi32, #tpu.memory_space<vmem>>, vector<16xi32>,
      %add3A_90 = arith.constant 20224 : i32
      %add3A_91 = vector.broadcast %add3A_90 : i32 to vector<16xi32>
      %add3A_92 = arith.addi %get3A_60, %add3A_91 : vector<16xi32>
      %swap3A_93 = arith.index_cast %while3A_53 : i32 to index
      %swap3A_94 = arith.constant 0 : index
      %swap3A_95 = tpu.vector_load %arg10[%swap3A_93, %swap3A_94] {strides = array<i32>} : memref<40x128xi32, #tpu.memory_space<vmem>>, vector<16xi32>,
      tpu.vector_store %arg10[%swap3A_93, %swap3A_94], %add3A_92 {strides = array<i32>} : memref<40x128xi32, #tpu.memory_space<vmem>>, vector<16xi32>,
      %mul3A_96 = arith.constant 128 : i32
      %mul3A_97 = arith.muli %while3A_53, %mul3A_96 : i32
      %add3A_98 = arith.constant 16 : i32
      %add3A_99 = arith.addi %mul3A_97, %add3A_98 : i32
      %get3A_100 = arith.index_cast %add3A_99 : i32 to index
      %get3A_101 = tpu.vector_load %arg6[%get3A_100] {strides = array<i32>} : memref<5120xi32, #tpu.memory_space<vmem>>, vector<16xi32>,
      %get3A_102 = arith.index_cast %add3A_99 : i32 to index
      %get3A_103 = tpu.vector_load %arg7[%get3A_102] {strides = array<i32>} : memref<5120xi32, #tpu.memory_space<vmem>>, vector<16xi32>,
      %gather3A_104 = tpu.vector_load_idx %arg5[%broadcast_in_dim3A_17, %get3A_101] : memref<4x10112xf32, #tpu.memory_space<vmem>>[vector<16xi32>, vector<16xi32>], vector<16xf32>,
      %gather3A_105 = tpu.vector_load_idx %arg5[%add3A_20, %get3A_103] : memref<4x10112xf32, #tpu.memory_space<vmem>>[vector<16xi32>, vector<16xi32>], vector<16xf32>,
      %gather3A_106 = tpu.vector_load_idx %arg5[%add3A_23, %get3A_101] : memref<4x10112xf32, #tpu.memory_space<vmem>>[vector<16xi32>, vector<16xi32>], vector<16xf32>,
      %gather3A_107 = tpu.vector_load_idx %arg5[%add3A_26, %get3A_101] : memref<4x10112xf32, #tpu.memory_space<vmem>>[vector<16xi32>, vector<16xi32>], vector<16xf32>,
      %add3A_108 = arith.addf %gather3A_104, %gather3A_105 : vector<16xf32>
      %gt3A_109 = arith.constant 0.000000e+00 : f32
      %gt3A_110 = vector.broadcast %gt3A_109 : f32 to vector<16xf32>
      %gt3A_111 = arith.cmpf ogt, %add3A_108, %gt3A_110 : vector<16xf32>
      %mul3A_112 = arith.constant 2.000000e-01 : f32
      %mul3A_113 = vector.broadcast %mul3A_112 : f32 to vector<16xf32>
      %mul3A_114 = arith.mulf %mul3A_113, %add3A_108 : vector<16xf32>
      %select_n3A_115 = arith.select %gt3A_111, %add3A_108, %mul3A_114 : vector<16xi1>, vector<16xf32>
      %exp3A_116 = math.exp %select_n3A_115 : vector<16xf32>
      %swap3A_117 = arith.index_cast %while3A_53 : i32 to index
      %swap3A_118 = arith.constant 16 : index
      %swap3A_119 = tpu.vector_load %arg11[%swap3A_117, %swap3A_118] {strides = array<i32>} : memref<40x128xf32, #tpu.memory_space<vmem>>, vector<16xf32>,
      tpu.vector_store %arg11[%swap3A_117, %swap3A_118], %exp3A_116 {strides = array<i32>} : memref<40x128xf32, #tpu.memory_space<vmem>>, vector<16xf32>,
      %mul3A_120 = arith.mulf %exp3A_116, %gather3A_106 : vector<16xf32>
      %swap3A_121 = arith.index_cast %while3A_53 : i32 to index
      %swap3A_122 = arith.constant 16 : index
      %swap3A_123 = tpu.vector_load %arg12[%swap3A_121, %swap3A_122] {strides = array<i32>} : memref<40x128xf32, #tpu.memory_space<vmem>>, vector<16xf32>,
      tpu.vector_store %arg12[%swap3A_121, %swap3A_122], %mul3A_120 {strides = array<i32>} : memref<40x128xf32, #tpu.memory_space<vmem>>, vector<16xf32>,
      %mul3A_124 = arith.mulf %exp3A_116, %gather3A_107 : vector<16xf32>
      %swap3A_125 = arith.index_cast %while3A_53 : i32 to index
      %swap3A_126 = arith.constant 16 : index
      %swap3A_127 = tpu.vector_load %arg13[%swap3A_125, %swap3A_126] {strides = array<i32>} : memref<40x128xf32, #tpu.memory_space<vmem>>, vector<16xf32>,
      tpu.vector_store %arg13[%swap3A_125, %swap3A_126], %mul3A_124 {strides = array<i32>} : memref<40x128xf32, #tpu.memory_space<vmem>>, vector<16xf32>,
      %swap3A_128 = arith.index_cast %while3A_53 : i32 to index
      %swap3A_129 = arith.constant 16 : index
      %swap3A_130 = tpu.vector_load %arg8[%swap3A_128, %swap3A_129] {strides = array<i32>} : memref<40x128xi32, #tpu.memory_space<vmem>>, vector<16xi32>,
      tpu.vector_store %arg8[%swap3A_128, %swap3A_129], %get3A_103 {strides = array<i32>} : memref<40x128xi32, #tpu.memory_space<vmem>>, vector<16xi32>,
      %add3A_131 = arith.constant 10112 : i32
      %add3A_132 = vector.broadcast %add3A_131 : i32 to vector<16xi32>
      %add3A_133 = arith.addi %get3A_103, %add3A_132 : vector<16xi32>
      %swap3A_134 = arith.index_cast %while3A_53 : i32 to index
      %swap3A_135 = arith.constant 16 : index
      %swap3A_136 = tpu.vector_load %arg9[%swap3A_134, %swap3A_135] {strides = array<i32>} : memref<40x128xi32, #tpu.memory_space<vmem>>, vector<16xi32>,
      tpu.vector_store %arg9[%swap3A_134, %swap3A_135], %add3A_133 {strides = array<i32>} : memref<40x128xi32, #tpu.memory_space<vmem>>, vector<16xi32>,
      %add3A_137 = arith.constant 20224 : i32
      %add3A_138 = vector.broadcast %add3A_137 : i32 to vector<16xi32>
      %add3A_139 = arith.addi %get3A_103, %add3A_138 : vector<16xi32>
      %swap3A_140 = arith.index_cast %while3A_53 : i32 to index
      %swap3A_141 = arith.constant 16 : index
      %swap3A_142 = tpu.vector_load %arg10[%swap3A_140, %swap3A_141] {strides = array<i32>} : memref<40x128xi32, #tpu.memory_space<vmem>>, vector<16xi32>,
      tpu.vector_store %arg10[%swap3A_140, %swap3A_141], %add3A_139 {strides = array<i32>} : memref<40x128xi32, #tpu.memory_space<vmem>>, vector<16xi32>,
      %mul3A_143 = arith.constant 128 : i32
      %mul3A_144 = arith.muli %while3A_53, %mul3A_143 : i32
      %add3A_145 = arith.constant 32 : i32
      %add3A_146 = arith.addi %mul3A_144, %add3A_145 : i32
      %get3A_147 = arith.index_cast %add3A_146 : i32 to index
      %get3A_148 = tpu.vector_load %arg6[%get3A_147] {strides = array<i32>} : memref<5120xi32, #tpu.memory_space<vmem>>, vector<16xi32>,
      %get3A_149 = arith.index_cast %add3A_146 : i32 to index
      %get3A_150 = tpu.vector_load %arg7[%get3A_149] {strides = array<i32>} : memref<5120xi32, #tpu.memory_space<vmem>>, vector<16xi32>,
      %gather3A_151 = tpu.vector_load_idx %arg5[%broadcast_in_dim3A_17, %get3A_148] : memref<4x10112xf32, #tpu.memory_space<vmem>>[vector<16xi32>, vector<16xi32>], vector<16xf32>,
      %gather3A_152 = tpu.vector_load_idx %arg5[%add3A_20, %get3A_150] : memref<4x10112xf32, #tpu.memory_space<vmem>>[vector<16xi32>, vector<16xi32>], vector<16xf32>,
      %gather3A_153 = tpu.vector_load_idx %arg5[%add3A_23, %get3A_148] : memref<4x10112xf32, #tpu.memory_space<vmem>>[vector<16xi32>, vector<16xi32>], vector<16xf32>,
      %gather3A_154 = tpu.vector_load_idx %arg5[%add3A_26, %get3A_148] : memref<4x10112xf32, #tpu.memory_space<vmem>>[vector<16xi32>, vector<16xi32>], vector<16xf32>,
      %add3A_155 = arith.addf %gather3A_151, %gather3A_152 : vector<16xf32>
      %gt3A_156 = arith.constant 0.000000e+00 : f32
      %gt3A_157 = vector.broadcast %gt3A_156 : f32 to vector<16xf32>
      %gt3A_158 = arith.cmpf ogt, %add3A_155, %gt3A_157 : vector<16xf32>
      %mul3A_159 = arith.constant 2.000000e-01 : f32
      %mul3A_160 = vector.broadcast %mul3A_159 : f32 to vector<16xf32>
      %mul3A_161 = arith.mulf %mul3A_160, %add3A_155 : vector<16xf32>
      %select_n3A_162 = arith.select %gt3A_158, %add3A_155, %mul3A_161 : vector<16xi1>, vector<16xf32>
      %exp3A_163 = math.exp %select_n3A_162 : vector<16xf32>
      %swap3A_164 = arith.index_cast %while3A_53 : i32 to index
      %swap3A_165 = arith.constant 32 : index
      %swap3A_166 = tpu.vector_load %arg11[%swap3A_164, %swap3A_165] {strides = array<i32>} : memref<40x128xf32, #tpu.memory_space<vmem>>, vector<16xf32>,
      tpu.vector_store %arg11[%swap3A_164, %swap3A_165], %exp3A_163 {strides = array<i32>} : memref<40x128xf32, #tpu.memory_space<vmem>>, vector<16xf32>,
      %mul3A_167 = arith.mulf %exp3A_163, %gather3A_153 : vector<16xf32>
      %swap3A_168 = arith.index_cast %while3A_53 : i32 to index
      %swap3A_169 = arith.constant 32 : index
      %swap3A_170 = tpu.vector_load %arg12[%swap3A_168, %swap3A_169] {strides = array<i32>} : memref<40x128xf32, #tpu.memory_space<vmem>>, vector<16xf32>,
      tpu.vector_store %arg12[%swap3A_168, %swap3A_169], %mul3A_167 {strides = array<i32>} : memref<40x128xf32, #tpu.memory_space<vmem>>, vector<16xf32>,
      %mul3A_171 = arith.mulf %exp3A_163, %gather3A_154 : vector<16xf32>
      %swap3A_172 = arith.index_cast %while3A_53 : i32 to index
      %swap3A_173 = arith.constant 32 : index
      %swap3A_174 = tpu.vector_load %arg13[%swap3A_172, %swap3A_173] {strides = array<i32>} : memref<40x128xf32, #tpu.memory_space<vmem>>, vector<16xf32>,
      tpu.vector_store %arg13[%swap3A_172, %swap3A_173], %mul3A_171 {strides = array<i32>} : memref<40x128xf32, #tpu.memory_space<vmem>>, vector<16xf32>,
      %swap3A_175 = arith.index_cast %while3A_53 : i32 to index
      %swap3A_176 = arith.constant 32 : index
      %swap3A_177 = tpu.vector_load %arg8[%swap3A_175, %swap3A_176] {strides = array<i32>} : memref<40x128xi32, #tpu.memory_space<vmem>>, vector<16xi32>,
      tpu.vector_store %arg8[%swap3A_175, %swap3A_176], %get3A_150 {strides = array<i32>} : memref<40x128xi32, #tpu.memory_space<vmem>>, vector<16xi32>,
      %add3A_178 = arith.constant 10112 : i32
      %add3A_179 = vector.broadcast %add3A_178 : i32 to vector<16xi32>
      %add3A_180 = arith.addi %get3A_150, %add3A_179 : vector<16xi32>
      %swap3A_181 = arith.index_cast %while3A_53 : i32 to index
      %swap3A_182 = arith.constant 32 : index
      %swap3A_183 = tpu.vector_load %arg9[%swap3A_181, %swap3A_182] {strides = array<i32>} : memref<40x128xi32, #tpu.memory_space<vmem>>, vector<16xi32>,
      tpu.vector_store %arg9[%swap3A_181, %swap3A_182], %add3A_180 {strides = array<i32>} : memref<40x128xi32, #tpu.memory_space<vmem>>, vector<16xi32>,
      %add3A_184 = arith.constant 20224 : i32
      %add3A_185 = vector.broadcast %add3A_184 : i32 to vector<16xi32>
      %add3A_186 = arith.addi %get3A_150, %add3A_185 : vector<16xi32>
      %swap3A_187 = arith.index_cast %while3A_53 : i32 to index
      %swap3A_188 = arith.constant 32 : index
      %swap3A_189 = tpu.vector_load %arg10[%swap3A_187, %swap3A_188] {strides = array<i32>} : memref<40x128xi32, #tpu.memory_space<vmem>>, vector<16xi32>,
      tpu.vector_store %arg10[%swap3A_187, %swap3A_188], %add3A_186 {strides = array<i32>} : memref<40x128xi32, #tpu.memory_space<vmem>>, vector<16xi32>,
      %mul3A_190 = arith.constant 128 : i32
      %mul3A_191 = arith.muli %while3A_53, %mul3A_190 : i32
      %add3A_192 = arith.constant 48 : i32
      %add3A_193 = arith.addi %mul3A_191, %add3A_192 : i32
      %get3A_194 = arith.index_cast %add3A_193 : i32 to index
      %get3A_195 = tpu.vector_load %arg6[%get3A_194] {strides = array<i32>} : memref<5120xi32, #tpu.memory_space<vmem>>, vector<16xi32>,
      %get3A_196 = arith.index_cast %add3A_193 : i32 to index
      %get3A_197 = tpu.vector_load %arg7[%get3A_196] {strides = array<i32>} : memref<5120xi32, #tpu.memory_space<vmem>>, vector<16xi32>,
      %gather3A_198 = tpu.vector_load_idx %arg5[%broadcast_in_dim3A_17, %get3A_195] : memref<4x10112xf32, #tpu.memory_space<vmem>>[vector<16xi32>, vector<16xi32>], vector<16xf32>,
      %gather3A_199 = tpu.vector_load_idx %arg5[%add3A_20, %get3A_197] : memref<4x10112xf32, #tpu.memory_space<vmem>>[vector<16xi32>, vector<16xi32>], vector<16xf32>,
      %gather3A_200 = tpu.vector_load_idx %arg5[%add3A_23, %get3A_195] : memref<4x10112xf32, #tpu.memory_space<vmem>>[vector<16xi32>, vector<16xi32>], vector<16xf32>,
      %gather3A_201 = tpu.vector_load_idx %arg5[%add3A_26, %get3A_195] : memref<4x10112xf32, #tpu.memory_space<vmem>>[vector<16xi32>, vector<16xi32>], vector<16xf32>,
      %add3A_202 = arith.addf %gather3A_198, %gather3A_199 : vector<16xf32>
      %gt3A_203 = arith.constant 0.000000e+00 : f32
      %gt3A_204 = vector.broadcast %gt3A_203 : f32 to vector<16xf32>
      %gt3A_205 = arith.cmpf ogt, %add3A_202, %gt3A_204 : vector<16xf32>
      %mul3A_206 = arith.constant 2.000000e-01 : f32
      %mul3A_207 = vector.broadcast %mul3A_206 : f32 to vector<16xf32>
      %mul3A_208 = arith.mulf %mul3A_207, %add3A_202 : vector<16xf32>
      %select_n3A_209 = arith.select %gt3A_205, %add3A_202, %mul3A_208 : vector<16xi1>, vector<16xf32>
      %exp3A_210 = math.exp %select_n3A_209 : vector<16xf32>
      %swap3A_211 = arith.index_cast %while3A_53 : i32 to index
      %swap3A_212 = arith.constant 48 : index
      %swap3A_213 = tpu.vector_load %arg11[%swap3A_211, %swap3A_212] {strides = array<i32>} : memref<40x128xf32, #tpu.memory_space<vmem>>, vector<16xf32>,
      tpu.vector_store %arg11[%swap3A_211, %swap3A_212], %exp3A_210 {strides = array<i32>} : memref<40x128xf32, #tpu.memory_space<vmem>>, vector<16xf32>,
      %mul3A_214 = arith.mulf %exp3A_210, %gather3A_200 : vector<16xf32>
      %swap3A_215 = arith.index_cast %while3A_53 : i32 to index
      %swap3A_216 = arith.constant 48 : index
      %swap3A_217 = tpu.vector_load %arg12[%swap3A_215, %swap3A_216] {strides = array<i32>} : memref<40x128xf32, #tpu.memory_space<vmem>>, vector<16xf32>,
      tpu.vector_store %arg12[%swap3A_215, %swap3A_216], %mul3A_214 {strides = array<i32>} : memref<40x128xf32, #tpu.memory_space<vmem>>, vector<16xf32>,
      %mul3A_218 = arith.mulf %exp3A_210, %gather3A_201 : vector<16xf32>
      %swap3A_219 = arith.index_cast %while3A_53 : i32 to index
      %swap3A_220 = arith.constant 48 : index
      %swap3A_221 = tpu.vector_load %arg13[%swap3A_219, %swap3A_220] {strides = array<i32>} : memref<40x128xf32, #tpu.memory_space<vmem>>, vector<16xf32>,
      tpu.vector_store %arg13[%swap3A_219, %swap3A_220], %mul3A_218 {strides = array<i32>} : memref<40x128xf32, #tpu.memory_space<vmem>>, vector<16xf32>,
      %swap3A_222 = arith.index_cast %while3A_53 : i32 to index
      %swap3A_223 = arith.constant 48 : index
      %swap3A_224 = tpu.vector_load %arg8[%swap3A_222, %swap3A_223] {strides = array<i32>} : memref<40x128xi32, #tpu.memory_space<vmem>>, vector<16xi32>,
      tpu.vector_store %arg8[%swap3A_222, %swap3A_223], %get3A_197 {strides = array<i32>} : memref<40x128xi32, #tpu.memory_space<vmem>>, vector<16xi32>,
      %add3A_225 = arith.constant 10112 : i32
      %add3A_226 = vector.broadcast %add3A_225 : i32 to vector<16xi32>
      %add3A_227 = arith.addi %get3A_197, %add3A_226 : vector<16xi32>
      %swap3A_228 = arith.index_cast %while3A_53 : i32 to index
      %swap3A_229 = arith.constant 48 : index
      %swap3A_230 = tpu.vector_load %arg9[%swap3A_228, %swap3A_229] {strides = array<i32>} : memref<40x128xi32, #tpu.memory_space<vmem>>, vector<16xi32>,
      tpu.vector_store %arg9[%swap3A_228, %swap3A_229], %add3A_227 {strides = array<i32>} : memref<40x128xi32, #tpu.memory_space<vmem>>, vector<16xi32>,
      %add3A_231 = arith.constant 20224 : i32
      %add3A_232 = vector.broadcast %add3A_231 : i32 to vector<16xi32>
      %add3A_233 = arith.addi %get3A_197, %add3A_232 : vector<16xi32>
      %swap3A_234 = arith.index_cast %while3A_53 : i32 to index
      %swap3A_235 = arith.constant 48 : index
      %swap3A_236 = tpu.vector_load %arg10[%swap3A_234, %swap3A_235] {strides = array<i32>} : memref<40x128xi32, #tpu.memory_space<vmem>>, vector<16xi32>,
      tpu.vector_store %arg10[%swap3A_234, %swap3A_235], %add3A_233 {strides = array<i32>} : memref<40x128xi32, #tpu.memory_space<vmem>>, vector<16xi32>,
      %mul3A_237 = arith.constant 128 : i32
      %mul3A_238 = arith.muli %while3A_53, %mul3A_237 : i32
      %add3A_239 = arith.constant 64 : i32
      %add3A_240 = arith.addi %mul3A_238, %add3A_239 : i32
      %get3A_241 = arith.index_cast %add3A_240 : i32 to index
      %get3A_242 = tpu.vector_load %arg6[%get3A_241] {strides = array<i32>} : memref<5120xi32, #tpu.memory_space<vmem>>, vector<16xi32>,
      %get3A_243 = arith.index_cast %add3A_240 : i32 to index
      %get3A_244 = tpu.vector_load %arg7[%get3A_243] {strides = array<i32>} : memref<5120xi32, #tpu.memory_space<vmem>>, vector<16xi32>,
      %gather3A_245 = tpu.vector_load_idx %arg5[%broadcast_in_dim3A_17, %get3A_242] : memref<4x10112xf32, #tpu.memory_space<vmem>>[vector<16xi32>, vector<16xi32>], vector<16xf32>,
      %gather3A_246 = tpu.vector_load_idx %arg5[%add3A_20, %get3A_244] : memref<4x10112xf32, #tpu.memory_space<vmem>>[vector<16xi32>, vector<16xi32>], vector<16xf32>,
      %gather3A_247 = tpu.vector_load_idx %arg5[%add3A_23, %get3A_242] : memref<4x10112xf32, #tpu.memory_space<vmem>>[vector<16xi32>, vector<16xi32>], vector<16xf32>,
      %gather3A_248 = tpu.vector_load_idx %arg5[%add3A_26, %get3A_242] : memref<4x10112xf32, #tpu.memory_space<vmem>>[vector<16xi32>, vector<16xi32>], vector<16xf32>,
      %add3A_249 = arith.addf %gather3A_245, %gather3A_246 : vector<16xf32>
      %gt3A_250 = arith.constant 0.000000e+00 : f32
      %gt3A_251 = vector.broadcast %gt3A_250 : f32 to vector<16xf32>
      %gt3A_252 = arith.cmpf ogt, %add3A_249, %gt3A_251 : vector<16xf32>
      %mul3A_253 = arith.constant 2.000000e-01 : f32
      %mul3A_254 = vector.broadcast %mul3A_253 : f32 to vector<16xf32>
      %mul3A_255 = arith.mulf %mul3A_254, %add3A_249 : vector<16xf32>
      %select_n3A_256 = arith.select %gt3A_252, %add3A_249, %mul3A_255 : vector<16xi1>, vector<16xf32>
      %exp3A_257 = math.exp %select_n3A_256 : vector<16xf32>
      %swap3A_258 = arith.index_cast %while3A_53 : i32 to index
      %swap3A_259 = arith.constant 64 : index
      %swap3A_260 = tpu.vector_load %arg11[%swap3A_258, %swap3A_259] {strides = array<i32>} : memref<40x128xf32, #tpu.memory_space<vmem>>, vector<16xf32>,
      tpu.vector_store %arg11[%swap3A_258, %swap3A_259], %exp3A_257 {strides = array<i32>} : memref<40x128xf32, #tpu.memory_space<vmem>>, vector<16xf32>,
      %mul3A_261 = arith.mulf %exp3A_257, %gather3A_247 : vector<16xf32>
      %swap3A_262 = arith.index_cast %while3A_53 : i32 to index
      %swap3A_263 = arith.constant 64 : index
      %swap3A_264 = tpu.vector_load %arg12[%swap3A_262, %swap3A_263] {strides = array<i32>} : memref<40x128xf32, #tpu.memory_space<vmem>>, vector<16xf32>,
      tpu.vector_store %arg12[%swap3A_262, %swap3A_263], %mul3A_261 {strides = array<i32>} : memref<40x128xf32, #tpu.memory_space<vmem>>, vector<16xf32>,
      %mul3A_265 = arith.mulf %exp3A_257, %gather3A_248 : vector<16xf32>
      %swap3A_266 = arith.index_cast %while3A_53 : i32 to index
      %swap3A_267 = arith.constant 64 : index
      %swap3A_268 = tpu.vector_load %arg13[%swap3A_266, %swap3A_267] {strides = array<i32>} : memref<40x128xf32, #tpu.memory_space<vmem>>, vector<16xf32>,
      tpu.vector_store %arg13[%swap3A_266, %swap3A_267], %mul3A_265 {strides = array<i32>} : memref<40x128xf32, #tpu.memory_space<vmem>>, vector<16xf32>,
      %swap3A_269 = arith.index_cast %while3A_53 : i32 to index
      %swap3A_270 = arith.constant 64 : index
      %swap3A_271 = tpu.vector_load %arg8[%swap3A_269, %swap3A_270] {strides = array<i32>} : memref<40x128xi32, #tpu.memory_space<vmem>>, vector<16xi32>,
      tpu.vector_store %arg8[%swap3A_269, %swap3A_270], %get3A_244 {strides = array<i32>} : memref<40x128xi32, #tpu.memory_space<vmem>>, vector<16xi32>,
      %add3A_272 = arith.constant 10112 : i32
      %add3A_273 = vector.broadcast %add3A_272 : i32 to vector<16xi32>
      %add3A_274 = arith.addi %get3A_244, %add3A_273 : vector<16xi32>
      %swap3A_275 = arith.index_cast %while3A_53 : i32 to index
      %swap3A_276 = arith.constant 64 : index
      %swap3A_277 = tpu.vector_load %arg9[%swap3A_275, %swap3A_276] {strides = array<i32>} : memref<40x128xi32, #tpu.memory_space<vmem>>, vector<16xi32>,
      tpu.vector_store %arg9[%swap3A_275, %swap3A_276], %add3A_274 {strides = array<i32>} : memref<40x128xi32, #tpu.memory_space<vmem>>, vector<16xi32>,
      %add3A_278 = arith.constant 20224 : i32
      %add3A_279 = vector.broadcast %add3A_278 : i32 to vector<16xi32>
      %add3A_280 = arith.addi %get3A_244, %add3A_279 : vector<16xi32>
      %swap3A_281 = arith.index_cast %while3A_53 : i32 to index
      %swap3A_282 = arith.constant 64 : index
      %swap3A_283 = tpu.vector_load %arg10[%swap3A_281, %swap3A_282] {strides = array<i32>} : memref<40x128xi32, #tpu.memory_space<vmem>>, vector<16xi32>,
      tpu.vector_store %arg10[%swap3A_281, %swap3A_282], %add3A_280 {strides = array<i32>} : memref<40x128xi32, #tpu.memory_space<vmem>>, vector<16xi32>,
      %mul3A_284 = arith.constant 128 : i32
      %mul3A_285 = arith.muli %while3A_53, %mul3A_284 : i32
      %add3A_286 = arith.constant 80 : i32
      %add3A_287 = arith.addi %mul3A_285, %add3A_286 : i32
      %get3A_288 = arith.index_cast %add3A_287 : i32 to index
      %get3A_289 = tpu.vector_load %arg6[%get3A_288] {strides = array<i32>} : memref<5120xi32, #tpu.memory_space<vmem>>, vector<16xi32>,
      %get3A_290 = arith.index_cast %add3A_287 : i32 to index
      %get3A_291 = tpu.vector_load %arg7[%get3A_290] {strides = array<i32>} : memref<5120xi32, #tpu.memory_space<vmem>>, vector<16xi32>,
      %gather3A_292 = tpu.vector_load_idx %arg5[%broadcast_in_dim3A_17, %get3A_289] : memref<4x10112xf32, #tpu.memory_space<vmem>>[vector<16xi32>, vector<16xi32>], vector<16xf32>,
      %gather3A_293 = tpu.vector_load_idx %arg5[%add3A_20, %get3A_291] : memref<4x10112xf32, #tpu.memory_space<vmem>>[vector<16xi32>, vector<16xi32>], vector<16xf32>,
      %gather3A_294 = tpu.vector_load_idx %arg5[%add3A_23, %get3A_289] : memref<4x10112xf32, #tpu.memory_space<vmem>>[vector<16xi32>, vector<16xi32>], vector<16xf32>,
      %gather3A_295 = tpu.vector_load_idx %arg5[%add3A_26, %get3A_289] : memref<4x10112xf32, #tpu.memory_space<vmem>>[vector<16xi32>, vector<16xi32>], vector<16xf32>,
      %add3A_296 = arith.addf %gather3A_292, %gather3A_293 : vector<16xf32>
      %gt3A_297 = arith.constant 0.000000e+00 : f32
      %gt3A_298 = vector.broadcast %gt3A_297 : f32 to vector<16xf32>
      %gt3A_299 = arith.cmpf ogt, %add3A_296, %gt3A_298 : vector<16xf32>
      %mul3A_300 = arith.constant 2.000000e-01 : f32
      %mul3A_301 = vector.broadcast %mul3A_300 : f32 to vector<16xf32>
      %mul3A_302 = arith.mulf %mul3A_301, %add3A_296 : vector<16xf32>
      %select_n3A_303 = arith.select %gt3A_299, %add3A_296, %mul3A_302 : vector<16xi1>, vector<16xf32>
      %exp3A_304 = math.exp %select_n3A_303 : vector<16xf32>
      %swap3A_305 = arith.index_cast %while3A_53 : i32 to index
      %swap3A_306 = arith.constant 80 : index
      %swap3A_307 = tpu.vector_load %arg11[%swap3A_305, %swap3A_306] {strides = array<i32>} : memref<40x128xf32, #tpu.memory_space<vmem>>, vector<16xf32>,
      tpu.vector_store %arg11[%swap3A_305, %swap3A_306], %exp3A_304 {strides = array<i32>} : memref<40x128xf32, #tpu.memory_space<vmem>>, vector<16xf32>,
      %mul3A_308 = arith.mulf %exp3A_304, %gather3A_294 : vector<16xf32>
      %swap3A_309 = arith.index_cast %while3A_53 : i32 to index
      %swap3A_310 = arith.constant 80 : index
      %swap3A_311 = tpu.vector_load %arg12[%swap3A_309, %swap3A_310] {strides = array<i32>} : memref<40x128xf32, #tpu.memory_space<vmem>>, vector<16xf32>,
      tpu.vector_store %arg12[%swap3A_309, %swap3A_310], %mul3A_308 {strides = array<i32>} : memref<40x128xf32, #tpu.memory_space<vmem>>, vector<16xf32>,
      %mul3A_312 = arith.mulf %exp3A_304, %gather3A_295 : vector<16xf32>
      %swap3A_313 = arith.index_cast %while3A_53 : i32 to index
      %swap3A_314 = arith.constant 80 : index
      %swap3A_315 = tpu.vector_load %arg13[%swap3A_313, %swap3A_314] {strides = array<i32>} : memref<40x128xf32, #tpu.memory_space<vmem>>, vector<16xf32>,
      tpu.vector_store %arg13[%swap3A_313, %swap3A_314], %mul3A_312 {strides = array<i32>} : memref<40x128xf32, #tpu.memory_space<vmem>>, vector<16xf32>,
      %swap3A_316 = arith.index_cast %while3A_53 : i32 to index
      %swap3A_317 = arith.constant 80 : index
      %swap3A_318 = tpu.vector_load %arg8[%swap3A_316, %swap3A_317] {strides = array<i32>} : memref<40x128xi32, #tpu.memory_space<vmem>>, vector<16xi32>,
      tpu.vector_store %arg8[%swap3A_316, %swap3A_317], %get3A_291 {strides = array<i32>} : memref<40x128xi32, #tpu.memory_space<vmem>>, vector<16xi32>,
      %add3A_319 = arith.constant 10112 : i32
      %add3A_320 = vector.broadcast %add3A_319 : i32 to vector<16xi32>
      %add3A_321 = arith.addi %get3A_291, %add3A_320 : vector<16xi32>
      %swap3A_322 = arith.index_cast %while3A_53 : i32 to index
      %swap3A_323 = arith.constant 80 : index
      %swap3A_324 = tpu.vector_load %arg9[%swap3A_322, %swap3A_323] {strides = array<i32>} : memref<40x128xi32, #tpu.memory_space<vmem>>, vector<16xi32>,
      tpu.vector_store %arg9[%swap3A_322, %swap3A_323], %add3A_321 {strides = array<i32>} : memref<40x128xi32, #tpu.memory_space<vmem>>, vector<16xi32>,
      %add3A_325 = arith.constant 20224 : i32
      %add3A_326 = vector.broadcast %add3A_325 : i32 to vector<16xi32>
      %add3A_327 = arith.addi %get3A_291, %add3A_326 : vector<16xi32>
      %swap3A_328 = arith.index_cast %while3A_53 : i32 to index
      %swap3A_329 = arith.constant 80 : index
      %swap3A_330 = tpu.vector_load %arg10[%swap3A_328, %swap3A_329] {strides = array<i32>} : memref<40x128xi32, #tpu.memory_space<vmem>>, vector<16xi32>,
      tpu.vector_store %arg10[%swap3A_328, %swap3A_329], %add3A_327 {strides = array<i32>} : memref<40x128xi32, #tpu.memory_space<vmem>>, vector<16xi32>,
      %mul3A_331 = arith.constant 128 : i32
      %mul3A_332 = arith.muli %while3A_53, %mul3A_331 : i32
      %add3A_333 = arith.constant 96 : i32
      %add3A_334 = arith.addi %mul3A_332, %add3A_333 : i32
      %get3A_335 = arith.index_cast %add3A_334 : i32 to index
      %get3A_336 = tpu.vector_load %arg6[%get3A_335] {strides = array<i32>} : memref<5120xi32, #tpu.memory_space<vmem>>, vector<16xi32>,
      %get3A_337 = arith.index_cast %add3A_334 : i32 to index
      %get3A_338 = tpu.vector_load %arg7[%get3A_337] {strides = array<i32>} : memref<5120xi32, #tpu.memory_space<vmem>>, vector<16xi32>,
      %gather3A_339 = tpu.vector_load_idx %arg5[%broadcast_in_dim3A_17, %get3A_336] : memref<4x10112xf32, #tpu.memory_space<vmem>>[vector<16xi32>, vector<16xi32>], vector<16xf32>,
      %gather3A_340 = tpu.vector_load_idx %arg5[%add3A_20, %get3A_338] : memref<4x10112xf32, #tpu.memory_space<vmem>>[vector<16xi32>, vector<16xi32>], vector<16xf32>,
      %gather3A_341 = tpu.vector_load_idx %arg5[%add3A_23, %get3A_336] : memref<4x10112xf32, #tpu.memory_space<vmem>>[vector<16xi32>, vector<16xi32>], vector<16xf32>,
      %gather3A_342 = tpu.vector_load_idx %arg5[%add3A_26, %get3A_336] : memref<4x10112xf32, #tpu.memory_space<vmem>>[vector<16xi32>, vector<16xi32>], vector<16xf32>,
      %add3A_343 = arith.addf %gather3A_339, %gather3A_340 : vector<16xf32>
      %gt3A_344 = arith.constant 0.000000e+00 : f32
      %gt3A_345 = vector.broadcast %gt3A_344 : f32 to vector<16xf32>
      %gt3A_346 = arith.cmpf ogt, %add3A_343, %gt3A_345 : vector<16xf32>
      %mul3A_347 = arith.constant 2.000000e-01 : f32
      %mul3A_348 = vector.broadcast %mul3A_347 : f32 to vector<16xf32>
      %mul3A_349 = arith.mulf %mul3A_348, %add3A_343 : vector<16xf32>
      %select_n3A_350 = arith.select %gt3A_346, %add3A_343, %mul3A_349 : vector<16xi1>, vector<16xf32>
      %exp3A_351 = math.exp %select_n3A_350 : vector<16xf32>
      %swap3A_352 = arith.index_cast %while3A_53 : i32 to index
      %swap3A_353 = arith.constant 96 : index
      %swap3A_354 = tpu.vector_load %arg11[%swap3A_352, %swap3A_353] {strides = array<i32>} : memref<40x128xf32, #tpu.memory_space<vmem>>, vector<16xf32>,
      tpu.vector_store %arg11[%swap3A_352, %swap3A_353], %exp3A_351 {strides = array<i32>} : memref<40x128xf32, #tpu.memory_space<vmem>>, vector<16xf32>,
      %mul3A_355 = arith.mulf %exp3A_351, %gather3A_341 : vector<16xf32>
      %swap3A_356 = arith.index_cast %while3A_53 : i32 to index
      %swap3A_357 = arith.constant 96 : index
      %swap3A_358 = tpu.vector_load %arg12[%swap3A_356, %swap3A_357] {strides = array<i32>} : memref<40x128xf32, #tpu.memory_space<vmem>>, vector<16xf32>,
      tpu.vector_store %arg12[%swap3A_356, %swap3A_357], %mul3A_355 {strides = array<i32>} : memref<40x128xf32, #tpu.memory_space<vmem>>, vector<16xf32>,
      %mul3A_359 = arith.mulf %exp3A_351, %gather3A_342 : vector<16xf32>
      %swap3A_360 = arith.index_cast %while3A_53 : i32 to index
      %swap3A_361 = arith.constant 96 : index
      %swap3A_362 = tpu.vector_load %arg13[%swap3A_360, %swap3A_361] {strides = array<i32>} : memref<40x128xf32, #tpu.memory_space<vmem>>, vector<16xf32>,
      tpu.vector_store %arg13[%swap3A_360, %swap3A_361], %mul3A_359 {strides = array<i32>} : memref<40x128xf32, #tpu.memory_space<vmem>>, vector<16xf32>,
      %swap3A_363 = arith.index_cast %while3A_53 : i32 to index
      %swap3A_364 = arith.constant 96 : index
      %swap3A_365 = tpu.vector_load %arg8[%swap3A_363, %swap3A_364] {strides = array<i32>} : memref<40x128xi32, #tpu.memory_space<vmem>>, vector<16xi32>,
      tpu.vector_store %arg8[%swap3A_363, %swap3A_364], %get3A_338 {strides = array<i32>} : memref<40x128xi32, #tpu.memory_space<vmem>>, vector<16xi32>,
      %add3A_366 = arith.constant 10112 : i32
      %add3A_367 = vector.broadcast %add3A_366 : i32 to vector<16xi32>
      %add3A_368 = arith.addi %get3A_338, %add3A_367 : vector<16xi32>
      %swap3A_369 = arith.index_cast %while3A_53 : i32 to index
      %swap3A_370 = arith.constant 96 : index
      %swap3A_371 = tpu.vector_load %arg9[%swap3A_369, %swap3A_370] {strides = array<i32>} : memref<40x128xi32, #tpu.memory_space<vmem>>, vector<16xi32>,
      tpu.vector_store %arg9[%swap3A_369, %swap3A_370], %add3A_368 {strides = array<i32>} : memref<40x128xi32, #tpu.memory_space<vmem>>, vector<16xi32>,
      %add3A_372 = arith.constant 20224 : i32
      %add3A_373 = vector.broadcast %add3A_372 : i32 to vector<16xi32>
      %add3A_374 = arith.addi %get3A_338, %add3A_373 : vector<16xi32>
      %swap3A_375 = arith.index_cast %while3A_53 : i32 to index
      %swap3A_376 = arith.constant 96 : index
      %swap3A_377 = tpu.vector_load %arg10[%swap3A_375, %swap3A_376] {strides = array<i32>} : memref<40x128xi32, #tpu.memory_space<vmem>>, vector<16xi32>,
      tpu.vector_store %arg10[%swap3A_375, %swap3A_376], %add3A_374 {strides = array<i32>} : memref<40x128xi32, #tpu.memory_space<vmem>>, vector<16xi32>,
      %mul3A_378 = arith.constant 128 : i32
      %mul3A_379 = arith.muli %while3A_53, %mul3A_378 : i32
      %add3A_380 = arith.constant 112 : i32
      %add3A_381 = arith.addi %mul3A_379, %add3A_380 : i32
      %get3A_382 = arith.index_cast %add3A_381 : i32 to index
      %get3A_383 = tpu.vector_load %arg6[%get3A_382] {strides = array<i32>} : memref<5120xi32, #tpu.memory_space<vmem>>, vector<16xi32>,
      %get3A_384 = arith.index_cast %add3A_381 : i32 to index
      %get3A_385 = tpu.vector_load %arg7[%get3A_384] {strides = array<i32>} : memref<5120xi32, #tpu.memory_space<vmem>>, vector<16xi32>,
      %gather3A_386 = tpu.vector_load_idx %arg5[%broadcast_in_dim3A_17, %get3A_383] : memref<4x10112xf32, #tpu.memory_space<vmem>>[vector<16xi32>, vector<16xi32>], vector<16xf32>,
      %gather3A_387 = tpu.vector_load_idx %arg5[%add3A_20, %get3A_385] : memref<4x10112xf32, #tpu.memory_space<vmem>>[vector<16xi32>, vector<16xi32>], vector<16xf32>,
      %gather3A_388 = tpu.vector_load_idx %arg5[%add3A_23, %get3A_383] : memref<4x10112xf32, #tpu.memory_space<vmem>>[vector<16xi32>, vector<16xi32>], vector<16xf32>,
      %gather3A_389 = tpu.vector_load_idx %arg5[%add3A_26, %get3A_383] : memref<4x10112xf32, #tpu.memory_space<vmem>>[vector<16xi32>, vector<16xi32>], vector<16xf32>,
      %add3A_390 = arith.addf %gather3A_386, %gather3A_387 : vector<16xf32>
      %gt3A_391 = arith.constant 0.000000e+00 : f32
      %gt3A_392 = vector.broadcast %gt3A_391 : f32 to vector<16xf32>
      %gt3A_393 = arith.cmpf ogt, %add3A_390, %gt3A_392 : vector<16xf32>
      %mul3A_394 = arith.constant 2.000000e-01 : f32
      %mul3A_395 = vector.broadcast %mul3A_394 : f32 to vector<16xf32>
      %mul3A_396 = arith.mulf %mul3A_395, %add3A_390 : vector<16xf32>
      %select_n3A_397 = arith.select %gt3A_393, %add3A_390, %mul3A_396 : vector<16xi1>, vector<16xf32>
      %exp3A_398 = math.exp %select_n3A_397 : vector<16xf32>
      %swap3A_399 = arith.index_cast %while3A_53 : i32 to index
      %swap3A_400 = arith.constant 112 : index
      %swap3A_401 = tpu.vector_load %arg11[%swap3A_399, %swap3A_400] {strides = array<i32>} : memref<40x128xf32, #tpu.memory_space<vmem>>, vector<16xf32>,
      tpu.vector_store %arg11[%swap3A_399, %swap3A_400], %exp3A_398 {strides = array<i32>} : memref<40x128xf32, #tpu.memory_space<vmem>>, vector<16xf32>,
      %mul3A_402 = arith.mulf %exp3A_398, %gather3A_388 : vector<16xf32>
      %swap3A_403 = arith.index_cast %while3A_53 : i32 to index
      %swap3A_404 = arith.constant 112 : index
      %swap3A_405 = tpu.vector_load %arg12[%swap3A_403, %swap3A_404] {strides = array<i32>} : memref<40x128xf32, #tpu.memory_space<vmem>>, vector<16xf32>,
      tpu.vector_store %arg12[%swap3A_403, %swap3A_404], %mul3A_402 {strides = array<i32>} : memref<40x128xf32, #tpu.memory_space<vmem>>, vector<16xf32>,
      %mul3A_406 = arith.mulf %exp3A_398, %gather3A_389 : vector<16xf32>
      %swap3A_407 = arith.index_cast %while3A_53 : i32 to index
      %swap3A_408 = arith.constant 112 : index
      %swap3A_409 = tpu.vector_load %arg13[%swap3A_407, %swap3A_408] {strides = array<i32>} : memref<40x128xf32, #tpu.memory_space<vmem>>, vector<16xf32>,
      tpu.vector_store %arg13[%swap3A_407, %swap3A_408], %mul3A_406 {strides = array<i32>} : memref<40x128xf32, #tpu.memory_space<vmem>>, vector<16xf32>,
      %swap3A_410 = arith.index_cast %while3A_53 : i32 to index
      %swap3A_411 = arith.constant 112 : index
      %swap3A_412 = tpu.vector_load %arg8[%swap3A_410, %swap3A_411] {strides = array<i32>} : memref<40x128xi32, #tpu.memory_space<vmem>>, vector<16xi32>,
      tpu.vector_store %arg8[%swap3A_410, %swap3A_411], %get3A_385 {strides = array<i32>} : memref<40x128xi32, #tpu.memory_space<vmem>>, vector<16xi32>,
      %add3A_413 = arith.constant 10112 : i32
      %add3A_414 = vector.broadcast %add3A_413 : i32 to vector<16xi32>
      %add3A_415 = arith.addi %get3A_385, %add3A_414 : vector<16xi32>
      %swap3A_416 = arith.index_cast %while3A_53 : i32 to index
      %swap3A_417 = arith.constant 112 : index
      %swap3A_418 = tpu.vector_load %arg9[%swap3A_416, %swap3A_417] {strides = array<i32>} : memref<40x128xi32, #tpu.memory_space<vmem>>, vector<16xi32>,
      tpu.vector_store %arg9[%swap3A_416, %swap3A_417], %add3A_415 {strides = array<i32>} : memref<40x128xi32, #tpu.memory_space<vmem>>, vector<16xi32>,
      %add3A_419 = arith.constant 20224 : i32
      %add3A_420 = vector.broadcast %add3A_419 : i32 to vector<16xi32>
      %add3A_421 = arith.addi %get3A_385, %add3A_420 : vector<16xi32>
      %swap3A_422 = arith.index_cast %while3A_53 : i32 to index
      %swap3A_423 = arith.constant 112 : index
      %swap3A_424 = tpu.vector_load %arg10[%swap3A_422, %swap3A_423] {strides = array<i32>} : memref<40x128xi32, #tpu.memory_space<vmem>>, vector<16xi32>,
      tpu.vector_store %arg10[%swap3A_422, %swap3A_423], %add3A_421 {strides = array<i32>} : memref<40x128xi32, #tpu.memory_space<vmem>>, vector<16xi32>,
      %dma_start3A = arith.constant 0 : i32
      %dma_start3A_425 = tpu.memref_slice %arg11[%while3A_53, %dma_start3A] : memref<40x128xf32, #tpu.memory_space<vmem>> -> memref<1x128xf32, #tpu.memory_space<vmem>>
      %dma_start3A_426 = tpu.memref_squeeze %dma_start3A_425 : memref<1x128xf32, #tpu.memory_space<vmem>> -> memref<128xf32, #tpu.memory_space<vmem>>
      %dma_start3A_427 = arith.constant 0 : i32
      %dma_start3A_428 = tpu.memref_slice %arg8[%while3A_53, %dma_start3A_427] : memref<40x128xi32, #tpu.memory_space<vmem>> -> memref<1x128xi32, #tpu.memory_space<vmem>>
      %dma_start3A_429 = tpu.memref_squeeze %dma_start3A_428 : memref<1x128xi32, #tpu.memory_space<vmem>> -> memref<128xi32, #tpu.memory_space<vmem>>
      %dma_start3A_430 = arith.constant 0 : i32
      %dma_start3A_431 = tpu.memref_slice %arg15[%dma_start3A_430] : memref<30336xf32, #tpu.memory_space<vmem_shared>> -> memref<30336xf32, #tpu.memory_space<vmem_shared>>
      tpu.enqueue_indirect_dma source(%dma_start3A_426 : memref<128xf32, #tpu.memory_space<vmem>>) target(%dma_start3A_431 : memref<30336xf32, #tpu.memory_space<vmem_shared>>) offsets(%dma_start3A_429 : memref<128xi32, #tpu.memory_space<vmem>>) semaphore(%arg16 : memref<!tpu.dma_semaphore, #tpu.memory_space<semaphore_mem>>) {add = true}
      %dma_start3A_432 = arith.constant 0 : i32
      %dma_start3A_433 = tpu.memref_slice %arg12[%while3A_53, %dma_start3A_432] : memref<40x128xf32, #tpu.memory_space<vmem>> -> memref<1x128xf32, #tpu.memory_space<vmem>>
      %dma_start3A_434 = tpu.memref_squeeze %dma_start3A_433 : memref<1x128xf32, #tpu.memory_space<vmem>> -> memref<128xf32, #tpu.memory_space<vmem>>
      %dma_start3A_435 = arith.constant 0 : i32
      %dma_start3A_436 = tpu.memref_slice %arg9[%while3A_53, %dma_start3A_435] : memref<40x128xi32, #tpu.memory_space<vmem>> -> memref<1x128xi32, #tpu.memory_space<vmem>>
      %dma_start3A_437 = tpu.memref_squeeze %dma_start3A_436 : memref<1x128xi32, #tpu.memory_space<vmem>> -> memref<128xi32, #tpu.memory_space<vmem>>
      %dma_start3A_438 = arith.constant 0 : i32
      %dma_start3A_439 = tpu.memref_slice %arg15[%dma_start3A_438] : memref<30336xf32, #tpu.memory_space<vmem_shared>> -> memref<30336xf32, #tpu.memory_space<vmem_shared>>
      tpu.enqueue_indirect_dma source(%dma_start3A_434 : memref<128xf32, #tpu.memory_space<vmem>>) target(%dma_start3A_439 : memref<30336xf32, #tpu.memory_space<vmem_shared>>) offsets(%dma_start3A_437 : memref<128xi32, #tpu.memory_space<vmem>>) semaphore(%arg16 : memref<!tpu.dma_semaphore, #tpu.memory_space<semaphore_mem>>) {add = true}
      %dma_start3A_440 = arith.constant 0 : i32
      %dma_start3A_441 = tpu.memref_slice %arg13[%while3A_53, %dma_start3A_440] : memref<40x128xf32, #tpu.memory_space<vmem>> -> memref<1x128xf32, #tpu.memory_space<vmem>>
      %dma_start3A_442 = tpu.memref_squeeze %dma_start3A_441 : memref<1x128xf32, #tpu.memory_space<vmem>> -> memref<128xf32, #tpu.memory_space<vmem>>
      %dma_start3A_443 = arith.constant 0 : i32
      %dma_start3A_444 = tpu.memref_slice %arg10[%while3A_53, %dma_start3A_443] : memref<40x128xi32, #tpu.memory_space<vmem>> -> memref<1x128xi32, #tpu.memory_space<vmem>>
      %dma_start3A_445 = tpu.memref_squeeze %dma_start3A_444 : memref<1x128xi32, #tpu.memory_space<vmem>> -> memref<128xi32, #tpu.memory_space<vmem>>
      %dma_start3A_446 = arith.constant 0 : i32
      %dma_start3A_447 = tpu.memref_slice %arg15[%dma_start3A_446] : memref<30336xf32, #tpu.memory_space<vmem_shared>> -> memref<30336xf32, #tpu.memory_space<vmem_shared>>
      tpu.enqueue_indirect_dma source(%dma_start3A_442 : memref<128xf32, #tpu.memory_space<vmem>>) target(%dma_start3A_447 : memref<30336xf32, #tpu.memory_space<vmem_shared>>) offsets(%dma_start3A_445 : memref<128xi32, #tpu.memory_space<vmem>>) semaphore(%arg16 : memref<!tpu.dma_semaphore, #tpu.memory_space<semaphore_mem>>) {add = true}
      %ge3A = arith.constant 8 : i32
      %ge3A_448 = arith.cmpi sge, %while3A_53, %ge3A : i32
      %convert_element_type3A_449 = arith.extui %ge3A_448 : i1 to i32
      %cond3A_450 = arith.constant 0 : i32
      %cond3A_451 = arith.cmpi ne, %convert_element_type3A_449, %cond3A_450 : i32
      scf.if %cond3A_451 {
        %sub3A_452 = arith.constant 8 : i32
        %sub3A_453 = arith.subi %while3A_53, %sub3A_452 : i32
        %dma_wait3A = arith.constant 0 : i32
        %dma_wait3A_454 = tpu.memref_slice %arg11[%sub3A_453, %dma_wait3A] : memref<40x128xf32, #tpu.memory_space<vmem>> -> memref<1x128xf32, #tpu.memory_space<vmem>>
        %dma_wait3A_455 = tpu.memref_squeeze %dma_wait3A_454 : memref<1x128xf32, #tpu.memory_space<vmem>> -> memref<128xf32, #tpu.memory_space<vmem>>
        %dma_wait3A_456 = arith.constant 0 : i32
        %dma_wait3A_457 = tpu.memref_slice %arg8[%sub3A_453, %dma_wait3A_456] : memref<40x128xi32, #tpu.memory_space<vmem>> -> memref<1x128xi32, #tpu.memory_space<vmem>>
        %dma_wait3A_458 = tpu.memref_squeeze %dma_wait3A_457 : memref<1x128xi32, #tpu.memory_space<vmem>> -> memref<128xi32, #tpu.memory_space<vmem>>
        %dma_wait3A_459 = arith.constant 0 : i32
        %dma_wait3A_460 = tpu.memref_slice %arg15[%dma_wait3A_459] : memref<30336xf32, #tpu.memory_space<vmem_shared>> -> memref<30336xf32, #tpu.memory_space<vmem_shared>>
        tpu.wait_indirect_dma semaphore(%arg16 : memref<!tpu.dma_semaphore, #tpu.memory_space<semaphore_mem>>) src(%dma_wait3A_455 : memref<128xf32, #tpu.memory_space<vmem>>) dst(%dma_wait3A_460 : memref<30336xf32, #tpu.memory_space<vmem_shared>>)
        %dma_wait3A_461 = arith.constant 0 : i32
        %dma_wait3A_462 = tpu.memref_slice %arg12[%sub3A_453, %dma_wait3A_461] : memref<40x128xf32, #tpu.memory_space<vmem>> -> memref<1x128xf32, #tpu.memory_space<vmem>>
        %dma_wait3A_463 = tpu.memref_squeeze %dma_wait3A_462 : memref<1x128xf32, #tpu.memory_space<vmem>> -> memref<128xf32, #tpu.memory_space<vmem>>
        %dma_wait3A_464 = arith.constant 0 : i32
        %dma_wait3A_465 = tpu.memref_slice %arg9[%sub3A_453, %dma_wait3A_464] : memref<40x128xi32, #tpu.memory_space<vmem>> -> memref<1x128xi32, #tpu.memory_space<vmem>>
        %dma_wait3A_466 = tpu.memref_squeeze %dma_wait3A_465 : memref<1x128xi32, #tpu.memory_space<vmem>> -> memref<128xi32, #tpu.memory_space<vmem>>
        %dma_wait3A_467 = arith.constant 0 : i32
        %dma_wait3A_468 = tpu.memref_slice %arg15[%dma_wait3A_467] : memref<30336xf32, #tpu.memory_space<vmem_shared>> -> memref<30336xf32, #tpu.memory_space<vmem_shared>>
        tpu.wait_indirect_dma semaphore(%arg16 : memref<!tpu.dma_semaphore, #tpu.memory_space<semaphore_mem>>) src(%dma_wait3A_463 : memref<128xf32, #tpu.memory_space<vmem>>) dst(%dma_wait3A_468 : memref<30336xf32, #tpu.memory_space<vmem_shared>>)
        %dma_wait3A_469 = arith.constant 0 : i32
        %dma_wait3A_470 = tpu.memref_slice %arg13[%sub3A_453, %dma_wait3A_469] : memref<40x128xf32, #tpu.memory_space<vmem>> -> memref<1x128xf32, #tpu.memory_space<vmem>>
        %dma_wait3A_471 = tpu.memref_squeeze %dma_wait3A_470 : memref<1x128xf32, #tpu.memory_space<vmem>> -> memref<128xf32, #tpu.memory_space<vmem>>
        %dma_wait3A_472 = arith.constant 0 : i32
        %dma_wait3A_473 = tpu.memref_slice %arg10[%sub3A_453, %dma_wait3A_472] : memref<40x128xi32, #tpu.memory_space<vmem>> -> memref<1x128xi32, #tpu.memory_space<vmem>>
        %dma_wait3A_474 = tpu.memref_squeeze %dma_wait3A_473 : memref<1x128xi32, #tpu.memory_space<vmem>> -> memref<128xi32, #tpu.memory_space<vmem>>
        %dma_wait3A_475 = arith.constant 0 : i32
        %dma_wait3A_476 = tpu.memref_slice %arg15[%dma_wait3A_475] : memref<30336xf32, #tpu.memory_space<vmem_shared>> -> memref<30336xf32, #tpu.memory_space<vmem_shared>>
        tpu.wait_indirect_dma semaphore(%arg16 : memref<!tpu.dma_semaphore, #tpu.memory_space<semaphore_mem>>) src(%dma_wait3A_471 : memref<128xf32, #tpu.memory_space<vmem>>) dst(%dma_wait3A_476 : memref<30336xf32, #tpu.memory_space<vmem_shared>>)
      } else {
      }
    }
    %sub3A = arith.constant 8 : i32
    %sub3A_36 = arith.subi %select_n3A, %sub3A : i32
    %max3A = arith.constant 0 : i32
    %max3A_37 = arith.maxsi %sub3A_36, %max3A : i32
    %while3A_38 = arith.constant 0 : i32
    %while3A_39 = arith.subi %select_n3A, %max3A_37 : i32
    %while3A_40 = arith.addi %max3A_37, %while3A_39 : i32
    %while3A_41 = arith.constant 1 : i32
    %while3A_42 = arith.divsi %while3A_39, %while3A_41 : i32
    %while3A_43 = arith.muli %while3A_42, %while3A_41 : i32
    %while3A_44 = arith.addi %max3A_37, %while3A_43 : i32
    %while3A_45 = arith.constant 1 : i32
    scf.for %while3A_53 = %max3A_37 to %while3A_44 step %while3A_45  : i32 {
      %dma_wait3A = arith.constant 0 : i32
      %dma_wait3A_54 = tpu.memref_slice %arg11[%while3A_53, %dma_wait3A] : memref<40x128xf32, #tpu.memory_space<vmem>> -> memref<1x128xf32, #tpu.memory_space<vmem>>
      %dma_wait3A_55 = tpu.memref_squeeze %dma_wait3A_54 : memref<1x128xf32, #tpu.memory_space<vmem>> -> memref<128xf32, #tpu.memory_space<vmem>>
      %dma_wait3A_56 = arith.constant 0 : i32
      %dma_wait3A_57 = tpu.memref_slice %arg8[%while3A_53, %dma_wait3A_56] : memref<40x128xi32, #tpu.memory_space<vmem>> -> memref<1x128xi32, #tpu.memory_space<vmem>>
      %dma_wait3A_58 = tpu.memref_squeeze %dma_wait3A_57 : memref<1x128xi32, #tpu.memory_space<vmem>> -> memref<128xi32, #tpu.memory_space<vmem>>
      %dma_wait3A_59 = arith.constant 0 : i32
      %dma_wait3A_60 = tpu.memref_slice %arg15[%dma_wait3A_59] : memref<30336xf32, #tpu.memory_space<vmem_shared>> -> memref<30336xf32, #tpu.memory_space<vmem_shared>>
      tpu.wait_indirect_dma semaphore(%arg16 : memref<!tpu.dma_semaphore, #tpu.memory_space<semaphore_mem>>) src(%dma_wait3A_55 : memref<128xf32, #tpu.memory_space<vmem>>) dst(%dma_wait3A_60 : memref<30336xf32, #tpu.memory_space<vmem_shared>>)
      %dma_wait3A_61 = arith.constant 0 : i32
      %dma_wait3A_62 = tpu.memref_slice %arg12[%while3A_53, %dma_wait3A_61] : memref<40x128xf32, #tpu.memory_space<vmem>> -> memref<1x128xf32, #tpu.memory_space<vmem>>
      %dma_wait3A_63 = tpu.memref_squeeze %dma_wait3A_62 : memref<1x128xf32, #tpu.memory_space<vmem>> -> memref<128xf32, #tpu.memory_space<vmem>>
      %dma_wait3A_64 = arith.constant 0 : i32
      %dma_wait3A_65 = tpu.memref_slice %arg9[%while3A_53, %dma_wait3A_64] : memref<40x128xi32, #tpu.memory_space<vmem>> -> memref<1x128xi32, #tpu.memory_space<vmem>>
      %dma_wait3A_66 = tpu.memref_squeeze %dma_wait3A_65 : memref<1x128xi32, #tpu.memory_space<vmem>> -> memref<128xi32, #tpu.memory_space<vmem>>
      %dma_wait3A_67 = arith.constant 0 : i32
      %dma_wait3A_68 = tpu.memref_slice %arg15[%dma_wait3A_67] : memref<30336xf32, #tpu.memory_space<vmem_shared>> -> memref<30336xf32, #tpu.memory_space<vmem_shared>>
      tpu.wait_indirect_dma semaphore(%arg16 : memref<!tpu.dma_semaphore, #tpu.memory_space<semaphore_mem>>) src(%dma_wait3A_63 : memref<128xf32, #tpu.memory_space<vmem>>) dst(%dma_wait3A_68 : memref<30336xf32, #tpu.memory_space<vmem_shared>>)
      %dma_wait3A_69 = arith.constant 0 : i32
      %dma_wait3A_70 = tpu.memref_slice %arg13[%while3A_53, %dma_wait3A_69] : memref<40x128xf32, #tpu.memory_space<vmem>> -> memref<1x128xf32, #tpu.memory_space<vmem>>
      %dma_wait3A_71 = tpu.memref_squeeze %dma_wait3A_70 : memref<1x128xf32, #tpu.memory_space<vmem>> -> memref<128xf32, #tpu.memory_space<vmem>>
      %dma_wait3A_72 = arith.constant 0 : i32
      %dma_wait3A_73 = tpu.memref_slice %arg10[%while3A_53, %dma_wait3A_72] : memref<40x128xi32, #tpu.memory_space<vmem>> -> memref<1x128xi32, #tpu.memory_space<vmem>>
      %dma_wait3A_74 = tpu.memref_squeeze %dma_wait3A_73 : memref<1x128xi32, #tpu.memory_space<vmem>> -> memref<128xi32, #tpu.memory_space<vmem>>
      %dma_wait3A_75 = arith.constant 0 : i32
      %dma_wait3A_76 = tpu.memref_slice %arg15[%dma_wait3A_75] : memref<30336xf32, #tpu.memory_space<vmem_shared>> -> memref<30336xf32, #tpu.memory_space<vmem_shared>>
      tpu.wait_indirect_dma semaphore(%arg16 : memref<!tpu.dma_semaphore, #tpu.memory_space<semaphore_mem>>) src(%dma_wait3A_71 : memref<128xf32, #tpu.memory_space<vmem>>) dst(%dma_wait3A_76 : memref<30336xf32, #tpu.memory_space<vmem_shared>>)
    }
    %while3A_46 = arith.constant 1 : i32
    scf.for %while3A_53 = %while3A_44 to %while3A_40 step %while3A_46  : i32 {
      %dma_wait3A = arith.constant 0 : i32
      %dma_wait3A_54 = tpu.memref_slice %arg11[%while3A_53, %dma_wait3A] : memref<40x128xf32, #tpu.memory_space<vmem>> -> memref<1x128xf32, #tpu.memory_space<vmem>>
      %dma_wait3A_55 = tpu.memref_squeeze %dma_wait3A_54 : memref<1x128xf32, #tpu.memory_space<vmem>> -> memref<128xf32, #tpu.memory_space<vmem>>
      %dma_wait3A_56 = arith.constant 0 : i32
      %dma_wait3A_57 = tpu.memref_slice %arg8[%while3A_53, %dma_wait3A_56] : memref<40x128xi32, #tpu.memory_space<vmem>> -> memref<1x128xi32, #tpu.memory_space<vmem>>
      %dma_wait3A_58 = tpu.memref_squeeze %dma_wait3A_57 : memref<1x128xi32, #tpu.memory_space<vmem>> -> memref<128xi32, #tpu.memory_space<vmem>>
      %dma_wait3A_59 = arith.constant 0 : i32
      %dma_wait3A_60 = tpu.memref_slice %arg15[%dma_wait3A_59] : memref<30336xf32, #tpu.memory_space<vmem_shared>> -> memref<30336xf32, #tpu.memory_space<vmem_shared>>
      tpu.wait_indirect_dma semaphore(%arg16 : memref<!tpu.dma_semaphore, #tpu.memory_space<semaphore_mem>>) src(%dma_wait3A_55 : memref<128xf32, #tpu.memory_space<vmem>>) dst(%dma_wait3A_60 : memref<30336xf32, #tpu.memory_space<vmem_shared>>)
      %dma_wait3A_61 = arith.constant 0 : i32
      %dma_wait3A_62 = tpu.memref_slice %arg12[%while3A_53, %dma_wait3A_61] : memref<40x128xf32, #tpu.memory_space<vmem>> -> memref<1x128xf32, #tpu.memory_space<vmem>>
      %dma_wait3A_63 = tpu.memref_squeeze %dma_wait3A_62 : memref<1x128xf32, #tpu.memory_space<vmem>> -> memref<128xf32, #tpu.memory_space<vmem>>
      %dma_wait3A_64 = arith.constant 0 : i32
      %dma_wait3A_65 = tpu.memref_slice %arg9[%while3A_53, %dma_wait3A_64] : memref<40x128xi32, #tpu.memory_space<vmem>> -> memref<1x128xi32, #tpu.memory_space<vmem>>
      %dma_wait3A_66 = tpu.memref_squeeze %dma_wait3A_65 : memref<1x128xi32, #tpu.memory_space<vmem>> -> memref<128xi32, #tpu.memory_space<vmem>>
      %dma_wait3A_67 = arith.constant 0 : i32
      %dma_wait3A_68 = tpu.memref_slice %arg15[%dma_wait3A_67] : memref<30336xf32, #tpu.memory_space<vmem_shared>> -> memref<30336xf32, #tpu.memory_space<vmem_shared>>
      tpu.wait_indirect_dma semaphore(%arg16 : memref<!tpu.dma_semaphore, #tpu.memory_space<semaphore_mem>>) src(%dma_wait3A_63 : memref<128xf32, #tpu.memory_space<vmem>>) dst(%dma_wait3A_68 : memref<30336xf32, #tpu.memory_space<vmem_shared>>)
      %dma_wait3A_69 = arith.constant 0 : i32
      %dma_wait3A_70 = tpu.memref_slice %arg13[%while3A_53, %dma_wait3A_69] : memref<40x128xf32, #tpu.memory_space<vmem>> -> memref<1x128xf32, #tpu.memory_space<vmem>>
      %dma_wait3A_71 = tpu.memref_squeeze %dma_wait3A_70 : memref<1x128xf32, #tpu.memory_space<vmem>> -> memref<128xf32, #tpu.memory_space<vmem>>
      %dma_wait3A_72 = arith.constant 0 : i32
      %dma_wait3A_73 = tpu.memref_slice %arg10[%while3A_53, %dma_wait3A_72] : memref<40x128xi32, #tpu.memory_space<vmem>> -> memref<1x128xi32, #tpu.memory_space<vmem>>
      %dma_wait3A_74 = tpu.memref_squeeze %dma_wait3A_73 : memref<1x128xi32, #tpu.memory_space<vmem>> -> memref<128xi32, #tpu.memory_space<vmem>>
      %dma_wait3A_75 = arith.constant 0 : i32
      %dma_wait3A_76 = tpu.memref_slice %arg15[%dma_wait3A_75] : memref<30336xf32, #tpu.memory_space<vmem_shared>> -> memref<30336xf32, #tpu.memory_space<vmem_shared>>
      tpu.wait_indirect_dma semaphore(%arg16 : memref<!tpu.dma_semaphore, #tpu.memory_space<semaphore_mem>>) src(%dma_wait3A_71 : memref<128xf32, #tpu.memory_space<vmem>>) dst(%dma_wait3A_76 : memref<30336xf32, #tpu.memory_space<vmem_shared>>)
    }
    %barrier3A_47 = arith.constant 0 : index
    tpu.barrier barrier_id(%barrier3A_47)
    %eq3A_48 = arith.constant 0 : i32
    %eq3A_49 = arith.cmpi eq, %arg1, %eq3A_48 : i32
    %convert_element_type3A_50 = arith.extui %eq3A_49 : i1 to i32
    %cond3A_51 = arith.constant 0 : i32
    %cond3A_52 = arith.cmpi ne, %convert_element_type3A_50, %cond3A_51 : i32
    scf.if %cond3A_52 {
      "tpu.region"() ({
        %run_scoped3A = tpu.sem_alloc : memref<!tpu.dma_semaphore, #tpu.memory_space<semaphore_mem>>
        %dma_start3A = arith.constant 0 : i32
        %dma_start3A_53 = tpu.memref_slice %arg4[%arg0, %dma_start3A] : memref<2x30336xf32, #tpu.memory_space<hbm>> -> memref<1x30336xf32, #tpu.memory_space<hbm>>
        %dma_start3A_54 = tpu.memref_squeeze %dma_start3A_53 : memref<1x30336xf32, #tpu.memory_space<hbm>> -> memref<30336xf32, #tpu.memory_space<hbm>>
        tpu.enqueue_dma source(%arg15 : memref<30336xf32, #tpu.memory_space<vmem_shared>>) target(%dma_start3A_54 : memref<30336xf32, #tpu.memory_space<hbm>>) target_semaphore(%run_scoped3A : memref<!tpu.dma_semaphore, #tpu.memory_space<semaphore_mem>>)
        %dma_wait3A = arith.constant 0 : i32
        %dma_wait3A_55 = tpu.memref_slice %arg4[%arg0, %dma_wait3A] : memref<2x30336xf32, #tpu.memory_space<hbm>> -> memref<1x30336xf32, #tpu.memory_space<hbm>>
        %dma_wait3A_56 = tpu.memref_squeeze %dma_wait3A_55 : memref<1x30336xf32, #tpu.memory_space<hbm>> -> memref<30336xf32, #tpu.memory_space<hbm>>
        tpu.wait_dma2 semaphore(%run_scoped3A : memref<!tpu.dma_semaphore, #tpu.memory_space<semaphore_mem>>) src(%arg15 : memref<30336xf32, #tpu.memory_space<vmem_shared>>) dst(%dma_wait3A_56 : memref<30336xf32, #tpu.memory_space<hbm>>)
        tpu.yield
      }) : () -> ()
    } else {
    }
    return
  }
}

module attributes {stable_mosaic.version = 14 : i64} {
  func.func @_proj_body(%arg0: memref<10000x256xf32, #tpu.memory_space<vmem>>, %arg1: memref<10000x256xf32, #tpu.memory_space<vmem>>, %arg2: memref<256x2xf32, #tpu.memory_space<vmem>>, %arg3: memref<256x2xf32, #tpu.memory_space<vmem>>, %arg4: memref<2xf32, #tpu.memory_space<vmem>>, %arg5: memref<2xf32, #tpu.memory_space<vmem>>, %arg6: memref<4x10112xf32, #tpu.memory_space<vmem>>) attributes {dimension_semantics = [], scalar_prefetch = 0 : i64, scratch_operands = 0 : i64, tpu.core_type = #tpu.core_type<tc>} {
    %get3A = arith.constant 0 : index
    %get3A_0 = arith.constant 0 : index
    %get3A_1 = vector.load %arg0[%get3A, %get3A_0] : memref<10000x256xf32, #tpu.memory_space<vmem>>, vector<10000x256xf32>
    %get3A_2 = arith.constant 0 : index
    %get3A_3 = arith.constant 0 : index
    %get3A_4 = vector.load %arg1[%get3A_2, %get3A_3] : memref<10000x256xf32, #tpu.memory_space<vmem>>, vector<10000x256xf32>
    %get3A_5 = arith.constant 0 : index
    %get3A_6 = arith.constant 0 : index
    %get3A_7 = vector.load %arg2[%get3A_5, %get3A_6] : memref<256x2xf32, #tpu.memory_space<vmem>>, vector<256x2xf32>
    %get3A_8 = arith.constant 0 : index
    %get3A_9 = vector.load %arg4[%get3A_8] : memref<2xf32, #tpu.memory_space<vmem>>, vector<2xf32>
    %dot_general3A = arith.constant dense<0.000000e+00> : vector<256xf32>
    %dot_general3A_10 = tpu.matmul %get3A_7, %get3A_9, %dot_general3A {dimension_numbers = #tpu.dot_dimension_numbers<[1], [0], [0], [], [0, 0], [], []>, transpose_lhs_hint = false} : vector<256x2xf32>, vector<2xf32>, vector<256xf32> -> vector<256xf32>
    %get3A_11 = arith.constant 0 : index
    %get3A_12 = arith.constant 0 : index
    %get3A_13 = vector.load %arg3[%get3A_11, %get3A_12] : memref<256x2xf32, #tpu.memory_space<vmem>>, vector<256x2xf32>
    %get3A_14 = arith.constant 0 : index
    %get3A_15 = vector.load %arg5[%get3A_14] : memref<2xf32, #tpu.memory_space<vmem>>, vector<2xf32>
    %dot_general3A_16 = arith.constant dense<0.000000e+00> : vector<256xf32>
    %dot_general3A_17 = tpu.matmul %get3A_13, %get3A_15, %dot_general3A_16 {dimension_numbers = #tpu.dot_dimension_numbers<[1], [0], [0], [], [0, 0], [], []>, transpose_lhs_hint = false} : vector<256x2xf32>, vector<2xf32>, vector<256xf32> -> vector<256xf32>
    %dot_general3A_18 = arith.constant dense<0.000000e+00> : vector<10000xf32>
    %dot_general3A_19 = tpu.matmul %get3A_1, %dot_general3A_10, %dot_general3A_18 {dimension_numbers = #tpu.dot_dimension_numbers<[1], [0], [0], [], [0, 0], [], []>, transpose_lhs_hint = false} : vector<10000x256xf32>, vector<256xf32>, vector<10000xf32> -> vector<10000xf32>
    %dot_general3A_20 = arith.constant dense<0.000000e+00> : vector<10000xf32>
    %dot_general3A_21 = tpu.matmul %get3A_4, %dot_general3A_17, %dot_general3A_20 {dimension_numbers = #tpu.dot_dimension_numbers<[1], [0], [0], [], [0, 0], [], []>, transpose_lhs_hint = false} : vector<10000x256xf32>, vector<256xf32>, vector<10000xf32> -> vector<10000xf32>
    %get3A_22 = arith.constant 0 : index
    %get3A_23 = arith.constant 0 : index
    %get3A_24 = vector.load %arg2[%get3A_22, %get3A_23] : memref<256x2xf32, #tpu.memory_space<vmem>>, vector<256x1xf32>
    %get3A_25 = vector.shape_cast %get3A_24 : vector<256x1xf32> to vector<256xf32>
    %dot_general3A_26 = arith.constant dense<0.000000e+00> : vector<10000xf32>
    %dot_general3A_27 = tpu.matmul %get3A_1, %get3A_25, %dot_general3A_26 {dimension_numbers = #tpu.dot_dimension_numbers<[1], [0], [0], [], [0, 0], [], []>, transpose_lhs_hint = false} : vector<10000x256xf32>, vector<256xf32>, vector<10000xf32> -> vector<10000xf32>
    %get3A_28 = arith.constant 0 : index
    %get3A_29 = arith.constant 1 : index
    %get3A_30 = vector.load %arg2[%get3A_28, %get3A_29] : memref<256x2xf32, #tpu.memory_space<vmem>>, vector<256x1xf32>
    %get3A_31 = vector.shape_cast %get3A_30 : vector<256x1xf32> to vector<256xf32>
    %dot_general3A_32 = arith.constant dense<0.000000e+00> : vector<10000xf32>
    %dot_general3A_33 = tpu.matmul %get3A_1, %get3A_31, %dot_general3A_32 {dimension_numbers = #tpu.dot_dimension_numbers<[1], [0], [0], [], [0, 0], [], []>, transpose_lhs_hint = false} : vector<10000x256xf32>, vector<256xf32>, vector<10000xf32> -> vector<10000xf32>
    %broadcast_in_dim3A = vector.shape_cast %dot_general3A_19 : vector<10000xf32> to vector<1x10000xf32>
    %broadcast_in_dim3A_34 = vector.shape_cast %dot_general3A_21 : vector<10000xf32> to vector<1x10000xf32>
    %broadcast_in_dim3A_35 = vector.shape_cast %dot_general3A_27 : vector<10000xf32> to vector<1x10000xf32>
    %broadcast_in_dim3A_36 = vector.shape_cast %dot_general3A_33 : vector<10000xf32> to vector<1x10000xf32>
    %concatenate3A = tpu.concatenate %broadcast_in_dim3A, %broadcast_in_dim3A_34, %broadcast_in_dim3A_35, %broadcast_in_dim3A_36 in 0 : vector<1x10000xf32>, vector<1x10000xf32>, vector<1x10000xf32>, vector<1x10000xf32> -> vector<4x10000xf32>
    %jit3A = arith.constant 0 : i32
    %convert_element_type3A = arith.sitofp %jit3A : i32 to f32
    %pad3A = vector.broadcast %convert_element_type3A : f32 to vector<4x112xf32>
    %pad3A_37 = tpu.concatenate %concatenate3A, %pad3A in 1 : vector<4x10000xf32>, vector<4x112xf32> -> vector<4x10112xf32>
    %swap3A = arith.constant 0 : index
    %swap3A_38 = arith.constant 0 : index
    %swap3A_39 = vector.load %arg6[%swap3A, %swap3A_38] : memref<4x10112xf32, #tpu.memory_space<vmem>>, vector<4x10112xf32>
    tpu.vector_store %arg6[%swap3A, %swap3A_38], %pad3A_37 {strides = array<i32>} : memref<4x10112xf32, #tpu.memory_space<vmem>>, vector<4x10112xf32>,
    return
  }
}

module attributes {stable_mosaic.version = 14 : i64} {
  func.func @_head_body(%arg0: memref<2x30336xf32, #tpu.memory_space<vmem>>, %arg1: memref<2xf32, #tpu.memory_space<smem>>, %arg2: memref<2x2xf32, #tpu.memory_space<smem>>, %arg3: memref<2xf32, #tpu.memory_space<smem>>, %arg4: memref<2x4xf32, #tpu.memory_space<smem>>, %arg5: memref<4xf32, #tpu.memory_space<smem>>, %arg6: memref<4x1xf32, #tpu.memory_space<smem>>, %arg7: memref<1xf32, #tpu.memory_space<smem>>, %arg8: memref<1x10112xf32, #tpu.memory_space<vmem>>) attributes {dimension_semantics = [], scalar_prefetch = 0 : i64, scratch_operands = 0 : i64, tpu.core_type = #tpu.core_type<tc>} {
    %get3A = arith.constant 0 : index
    %get3A_0 = arith.constant 0 : index
    %get3A_1 = vector.load %arg0[%get3A, %get3A_0] : memref<2x30336xf32, #tpu.memory_space<vmem>>, vector<2x30336xf32>
    %slice3A = vector.extract_strided_slice %get3A_1 {offsets = [0, 0], sizes = [1, 30336], strides = [1, 1]} : vector<2x30336xf32> to vector<1x30336xf32>
    %squeeze3A = vector.shape_cast %slice3A : vector<1x30336xf32> to vector<30336xf32>
    %slice3A_2 = vector.extract_strided_slice %get3A_1 {offsets = [1, 0], sizes = [1, 30336], strides = [1, 1]} : vector<2x30336xf32> to vector<1x30336xf32>
    %squeeze3A_3 = vector.shape_cast %slice3A_2 : vector<1x30336xf32> to vector<30336xf32>
    %add3A = arith.addf %squeeze3A, %squeeze3A_3 : vector<30336xf32>
    %slice3A_4 = vector.extract_strided_slice %add3A {offsets = [0], sizes = [10112], strides = [1]} : vector<30336xf32> to vector<10112xf32>
    %add3A_5 = arith.constant 1.000000e-16 : f32
    %add3A_6 = vector.broadcast %add3A_5 : f32 to vector<10112xf32>
    %add3A_7 = arith.addf %slice3A_4, %add3A_6 : vector<10112xf32>
    %div3A = arith.constant 1.000000e+00 : f32
    %div3A_8 = vector.broadcast %div3A : f32 to vector<10112xf32>
    %div3A_9 = arith.divf %div3A_8, %add3A_7 : vector<10112xf32>
    %slice3A_10 = vector.extract_strided_slice %add3A {offsets = [10112], sizes = [10112], strides = [1]} : vector<30336xf32> to vector<10112xf32>
    %mul3A = arith.mulf %slice3A_10, %div3A_9 : vector<10112xf32>
    %get3A_11 = arith.constant 0 : index
    %get3A_12 = memref.load %arg1[%get3A_11] : memref<2xf32, #tpu.memory_space<smem>>
    %add3A_13 = vector.broadcast %get3A_12 : f32 to vector<10112xf32>
    %add3A_14 = arith.addf %mul3A, %add3A_13 : vector<10112xf32>
    %max3A = arith.constant 0.000000e+00 : f32
    %max3A_15 = vector.broadcast %max3A : f32 to vector<10112xf32>
    %max3A_16 = arith.maximumf %add3A_14, %max3A_15 : vector<10112xf32>
    %slice3A_17 = vector.extract_strided_slice %add3A {offsets = [20224], sizes = [10112], strides = [1]} : vector<30336xf32> to vector<10112xf32>
    %mul3A_18 = arith.mulf %slice3A_17, %div3A_9 : vector<10112xf32>
    %get3A_19 = arith.constant 1 : index
    %get3A_20 = memref.load %arg1[%get3A_19] : memref<2xf32, #tpu.memory_space<smem>>
    %add3A_21 = vector.broadcast %get3A_20 : f32 to vector<10112xf32>
    %add3A_22 = arith.addf %mul3A_18, %add3A_21 : vector<10112xf32>
    %max3A_23 = arith.constant 0.000000e+00 : f32
    %max3A_24 = vector.broadcast %max3A_23 : f32 to vector<10112xf32>
    %max3A_25 = arith.maximumf %add3A_22, %max3A_24 : vector<10112xf32>
    %get3A_26 = arith.constant 0 : index
    %get3A_27 = arith.constant 0 : index
    %get3A_28 = memref.load %arg2[%get3A_26, %get3A_27] : memref<2x2xf32, #tpu.memory_space<smem>>
    %mul3A_29 = vector.broadcast %get3A_28 : f32 to vector<10112xf32>
    %mul3A_30 = arith.mulf %max3A_16, %mul3A_29 : vector<10112xf32>
    %get3A_31 = arith.constant 1 : index
    %get3A_32 = arith.constant 0 : index
    %get3A_33 = memref.load %arg2[%get3A_31, %get3A_32] : memref<2x2xf32, #tpu.memory_space<smem>>
    %mul3A_34 = vector.broadcast %get3A_33 : f32 to vector<10112xf32>
    %mul3A_35 = arith.mulf %max3A_25, %mul3A_34 : vector<10112xf32>
    %add3A_36 = arith.addf %mul3A_30, %mul3A_35 : vector<10112xf32>
    %get3A_37 = arith.constant 0 : index
    %get3A_38 = memref.load %arg3[%get3A_37] : memref<2xf32, #tpu.memory_space<smem>>
    %add3A_39 = vector.broadcast %get3A_38 : f32 to vector<10112xf32>
    %add3A_40 = arith.addf %add3A_36, %add3A_39 : vector<10112xf32>
    %max3A_41 = arith.constant 0.000000e+00 : f32
    %max3A_42 = vector.broadcast %max3A_41 : f32 to vector<10112xf32>
    %max3A_43 = arith.maximumf %add3A_40, %max3A_42 : vector<10112xf32>
    %get3A_44 = arith.constant 0 : index
    %get3A_45 = arith.constant 1 : index
    %get3A_46 = memref.load %arg2[%get3A_44, %get3A_45] : memref<2x2xf32, #tpu.memory_space<smem>>
    %mul3A_47 = vector.broadcast %get3A_46 : f32 to vector<10112xf32>
    %mul3A_48 = arith.mulf %max3A_16, %mul3A_47 : vector<10112xf32>
    %get3A_49 = arith.constant 1 : index
    %get3A_50 = arith.constant 1 : index
    %get3A_51 = memref.load %arg2[%get3A_49, %get3A_50] : memref<2x2xf32, #tpu.memory_space<smem>>
    %mul3A_52 = vector.broadcast %get3A_51 : f32 to vector<10112xf32>
    %mul3A_53 = arith.mulf %max3A_25, %mul3A_52 : vector<10112xf32>
    %add3A_54 = arith.addf %mul3A_48, %mul3A_53 : vector<10112xf32>
    %get3A_55 = arith.constant 1 : index
    %get3A_56 = memref.load %arg3[%get3A_55] : memref<2xf32, #tpu.memory_space<smem>>
    %add3A_57 = vector.broadcast %get3A_56 : f32 to vector<10112xf32>
    %add3A_58 = arith.addf %add3A_54, %add3A_57 : vector<10112xf32>
    %max3A_59 = arith.constant 0.000000e+00 : f32
    %max3A_60 = vector.broadcast %max3A_59 : f32 to vector<10112xf32>
    %max3A_61 = arith.maximumf %add3A_58, %max3A_60 : vector<10112xf32>
    %get3A_62 = arith.constant 0 : index
    %get3A_63 = arith.constant 0 : index
    %get3A_64 = memref.load %arg4[%get3A_62, %get3A_63] : memref<2x4xf32, #tpu.memory_space<smem>>
    %mul3A_65 = vector.broadcast %get3A_64 : f32 to vector<10112xf32>
    %mul3A_66 = arith.mulf %max3A_43, %mul3A_65 : vector<10112xf32>
    %get3A_67 = arith.constant 1 : index
    %get3A_68 = arith.constant 0 : index
    %get3A_69 = memref.load %arg4[%get3A_67, %get3A_68] : memref<2x4xf32, #tpu.memory_space<smem>>
    %mul3A_70 = vector.broadcast %get3A_69 : f32 to vector<10112xf32>
    %mul3A_71 = arith.mulf %max3A_61, %mul3A_70 : vector<10112xf32>
    %add3A_72 = arith.addf %mul3A_66, %mul3A_71 : vector<10112xf32>
    %get3A_73 = arith.constant 0 : index
    %get3A_74 = memref.load %arg5[%get3A_73] : memref<4xf32, #tpu.memory_space<smem>>
    %add3A_75 = vector.broadcast %get3A_74 : f32 to vector<10112xf32>
    %add3A_76 = arith.addf %add3A_72, %add3A_75 : vector<10112xf32>
    %max3A_77 = arith.constant 0.000000e+00 : f32
    %max3A_78 = vector.broadcast %max3A_77 : f32 to vector<10112xf32>
    %max3A_79 = arith.maximumf %add3A_76, %max3A_78 : vector<10112xf32>
    %get3A_80 = arith.constant 0 : index
    %get3A_81 = arith.constant 1 : index
    %get3A_82 = memref.load %arg4[%get3A_80, %get3A_81] : memref<2x4xf32, #tpu.memory_space<smem>>
    %mul3A_83 = vector.broadcast %get3A_82 : f32 to vector<10112xf32>
    %mul3A_84 = arith.mulf %max3A_43, %mul3A_83 : vector<10112xf32>
    %get3A_85 = arith.constant 1 : index
    %get3A_86 = arith.constant 1 : index
    %get3A_87 = memref.load %arg4[%get3A_85, %get3A_86] : memref<2x4xf32, #tpu.memory_space<smem>>
    %mul3A_88 = vector.broadcast %get3A_87 : f32 to vector<10112xf32>
    %mul3A_89 = arith.mulf %max3A_61, %mul3A_88 : vector<10112xf32>
    %add3A_90 = arith.addf %mul3A_84, %mul3A_89 : vector<10112xf32>
    %get3A_91 = arith.constant 1 : index
    %get3A_92 = memref.load %arg5[%get3A_91] : memref<4xf32, #tpu.memory_space<smem>>
    %add3A_93 = vector.broadcast %get3A_92 : f32 to vector<10112xf32>
    %add3A_94 = arith.addf %add3A_90, %add3A_93 : vector<10112xf32>
    %max3A_95 = arith.constant 0.000000e+00 : f32
    %max3A_96 = vector.broadcast %max3A_95 : f32 to vector<10112xf32>
    %max3A_97 = arith.maximumf %add3A_94, %max3A_96 : vector<10112xf32>
    %get3A_98 = arith.constant 0 : index
    %get3A_99 = arith.constant 2 : index
    %get3A_100 = memref.load %arg4[%get3A_98, %get3A_99] : memref<2x4xf32, #tpu.memory_space<smem>>
    %mul3A_101 = vector.broadcast %get3A_100 : f32 to vector<10112xf32>
    %mul3A_102 = arith.mulf %max3A_43, %mul3A_101 : vector<10112xf32>
    %get3A_103 = arith.constant 1 : index
    %get3A_104 = arith.constant 2 : index
    %get3A_105 = memref.load %arg4[%get3A_103, %get3A_104] : memref<2x4xf32, #tpu.memory_space<smem>>
    %mul3A_106 = vector.broadcast %get3A_105 : f32 to vector<10112xf32>
    %mul3A_107 = arith.mulf %max3A_61, %mul3A_106 : vector<10112xf32>
    %add3A_108 = arith.addf %mul3A_102, %mul3A_107 : vector<10112xf32>
    %get3A_109 = arith.constant 2 : index
    %get3A_110 = memref.load %arg5[%get3A_109] : memref<4xf32, #tpu.memory_space<smem>>
    %add3A_111 = vector.broadcast %get3A_110 : f32 to vector<10112xf32>
    %add3A_112 = arith.addf %add3A_108, %add3A_111 : vector<10112xf32>
    %max3A_113 = arith.constant 0.000000e+00 : f32
    %max3A_114 = vector.broadcast %max3A_113 : f32 to vector<10112xf32>
    %max3A_115 = arith.maximumf %add3A_112, %max3A_114 : vector<10112xf32>
    %get3A_116 = arith.constant 0 : index
    %get3A_117 = arith.constant 3 : index
    %get3A_118 = memref.load %arg4[%get3A_116, %get3A_117] : memref<2x4xf32, #tpu.memory_space<smem>>
    %mul3A_119 = vector.broadcast %get3A_118 : f32 to vector<10112xf32>
    %mul3A_120 = arith.mulf %max3A_43, %mul3A_119 : vector<10112xf32>
    %get3A_121 = arith.constant 1 : index
    %get3A_122 = arith.constant 3 : index
    %get3A_123 = memref.load %arg4[%get3A_121, %get3A_122] : memref<2x4xf32, #tpu.memory_space<smem>>
    %mul3A_124 = vector.broadcast %get3A_123 : f32 to vector<10112xf32>
    %mul3A_125 = arith.mulf %max3A_61, %mul3A_124 : vector<10112xf32>
    %add3A_126 = arith.addf %mul3A_120, %mul3A_125 : vector<10112xf32>
    %get3A_127 = arith.constant 3 : index
    %get3A_128 = memref.load %arg5[%get3A_127] : memref<4xf32, #tpu.memory_space<smem>>
    %add3A_129 = vector.broadcast %get3A_128 : f32 to vector<10112xf32>
    %add3A_130 = arith.addf %add3A_126, %add3A_129 : vector<10112xf32>
    %max3A_131 = arith.constant 0.000000e+00 : f32
    %max3A_132 = vector.broadcast %max3A_131 : f32 to vector<10112xf32>
    %max3A_133 = arith.maximumf %add3A_130, %max3A_132 : vector<10112xf32>
    %get3A_134 = arith.constant 0 : index
    %get3A_135 = arith.constant 0 : index
    %get3A_136 = memref.load %arg6[%get3A_134, %get3A_135] : memref<4x1xf32, #tpu.memory_space<smem>>
    %mul3A_137 = vector.broadcast %get3A_136 : f32 to vector<10112xf32>
    %mul3A_138 = arith.mulf %max3A_79, %mul3A_137 : vector<10112xf32>
    %get3A_139 = arith.constant 1 : index
    %get3A_140 = arith.constant 0 : index
    %get3A_141 = memref.load %arg6[%get3A_139, %get3A_140] : memref<4x1xf32, #tpu.memory_space<smem>>
    %mul3A_142 = vector.broadcast %get3A_141 : f32 to vector<10112xf32>
    %mul3A_143 = arith.mulf %max3A_97, %mul3A_142 : vector<10112xf32>
    %add3A_144 = arith.addf %mul3A_138, %mul3A_143 : vector<10112xf32>
    %get3A_145 = arith.constant 2 : index
    %get3A_146 = arith.constant 0 : index
    %get3A_147 = memref.load %arg6[%get3A_145, %get3A_146] : memref<4x1xf32, #tpu.memory_space<smem>>
    %mul3A_148 = vector.broadcast %get3A_147 : f32 to vector<10112xf32>
    %mul3A_149 = arith.mulf %max3A_115, %mul3A_148 : vector<10112xf32>
    %add3A_150 = arith.addf %add3A_144, %mul3A_149 : vector<10112xf32>
    %get3A_151 = arith.constant 3 : index
    %get3A_152 = arith.constant 0 : index
    %get3A_153 = memref.load %arg6[%get3A_151, %get3A_152] : memref<4x1xf32, #tpu.memory_space<smem>>
    %mul3A_154 = vector.broadcast %get3A_153 : f32 to vector<10112xf32>
    %mul3A_155 = arith.mulf %max3A_133, %mul3A_154 : vector<10112xf32>
    %add3A_156 = arith.addf %add3A_150, %mul3A_155 : vector<10112xf32>
    %get3A_157 = arith.constant 0 : index
    %get3A_158 = memref.load %arg7[%get3A_157] : memref<1xf32, #tpu.memory_space<smem>>
    %add3A_159 = vector.broadcast %get3A_158 : f32 to vector<10112xf32>
    %add3A_160 = arith.addf %add3A_156, %add3A_159 : vector<10112xf32>
    %logistic3A = arith.negf %add3A_160 : vector<10112xf32>
    %logistic3A_161 = math.exp %logistic3A : vector<10112xf32>
    %logistic3A_162 = arith.constant 1.000000e+00 : f32
    %logistic3A_163 = vector.broadcast %logistic3A_162 : f32 to vector<10112xf32>
    %logistic3A_164 = arith.addf %logistic3A_163, %logistic3A_161 : vector<10112xf32>
    %logistic3A_165 = arith.divf %logistic3A_163, %logistic3A_164 : vector<10112xf32>
    %broadcast_in_dim3A = vector.shape_cast %logistic3A_165 : vector<10112xf32> to vector<1x10112xf32>
    %swap3A = arith.constant 0 : index
    %swap3A_166 = arith.constant 0 : index
    %swap3A_167 = vector.load %arg8[%swap3A, %swap3A_166] : memref<1x10112xf32, #tpu.memory_space<vmem>>, vector<1x10112xf32>
    tpu.vector_store %arg8[%swap3A, %swap3A_166], %broadcast_in_dim3A {strides = array<i32>} : memref<1x10112xf32, #tpu.memory_space<vmem>>, vector<1x10112xf32>,
    return
  }
}

</mosaic_0001>

<sc_bundles>
// kernel: kernel.5.cloned.1.call-start
scs
__scs_entry_jumppad:
0x0: {  	(pc) =	sbr.rel $0x88, $3  }
0x1: {  	(tag) =	ssettag $0x0;
	lr =	simm.s32 $0x1  }
0x2: {  	[smem:$0x3F93] =	sst lr;
	_ =	strace $0xD0000000  }
0x3: {  	_ = 	snop  }
0x4: {  	_ = 	snop  }
0x5: {  	_ = 	snop  }
0x6: {  	_ = 	snop  }
0x7: {  	_ = 	snop  }
__scs_overlays_trampoline_lowered:
0x8: {  	[smem:$0x3FA2] =	sst s0  }
0x9: {  	[smem:$0x3FA3] =	sst s1  }
0xa: {  	[smem:$0x3FA4] =	sst s2  }
0xb: {  	[smem:$0x3FA5] =	sst s3  }
0xc: {  	[smem:$0x3FA6] =	sst s4  }
0xd: {  	[smem:$0x3FA7] =	sst s5  }
0xe: {  	[smem:$0x3FA8] =	sst s6  }
0xf: {  	[smem:$0x3FA9] =	sst s7  }
0x10: {  	[smem:$0x3FAA] =	sst s8  }
0x11: {  	[smem:$0x3FAB] =	sst s9;
	s0 =	simm.s32 @!p0 $0x0  }
0x12: {  	s1 =	sld [smem:$0x3F91];
	s0 =	simm.s32 @p0 $0x1  }
0x13: {  	[smem:$0x3FAC] =	sst s0;
	s0 =	simm.s32 @!p1 $0x0  }
0x14: {  	s2 =	sld [smem:$0x3F90];
	s0 =	simm.s32 @p1 $0x1  }
0x15: {  	[smem:$0x3FAD] =	sst s0;
	s0 =	simm.s32 @!p2 $0x0  }
0x16: {  	s3 =	sld [smem:$0x3FDB];
	s0 =	simm.s32 @p2 $0x1  }
0x17: {  	s4 =	simm.s32 $0x1BF5;
	[smem:$0x3FAF] =	sst s0  }
0x18: {  	s0 =	sld [smem:$0x3F92];
	_ =	swait.ge [sflag:s4], $0x0  }
0x19: {  	s7 =	sld [smem:$0x3F93]  }
0x1a: {  	s8 =	sadd.s32 $0xFFFFE003, lr  }
0x1b: {  	s9 =	sadd.s32 $0xFFFFFEF7, lr;
	s5 =	simm.s32 $0xFFFFFFFF;
	p2 =	slt.u32 s8, $0xFFFFF086  }
0x1c: {  	p1 =	slt.u32 s9, $0xF7A;
	s5 =	simm.s32 @!p2 $0x0  }
0x1d: {  	s5 =	simm.s32 @p1 $0x1;
	p0 =	seq.s32 s7, s2  }
0x1e: {  	s7 =	smul.u32 @!p0 $0xF7A, s2;
	p2 =	seq.s32 @!p0 s5, $0x0  }
0x1f: {  	s9 =	smul.u32 $0xF7A, s1;
	s8 =	simm.s32 @!p0 $0x1BF5;
	p2 =	por !p2, p0  }
0x20: {  	[sflag:s8] =	ssyncset.s32 @!p0 $0xFFFFF086;
	s6 =	sadd.s32 @!p0 s3, s7;
	s7 =	simm.s32 @!p0 $0x108  }
0x21: {  	s3 =	sadd.s32 s3, s9;
	s6 =	sadd.s32 @!p0 $0x88, s6;
	s7 =	simm.s32 @p2 $0x1082  }
0x22: {  	[simem:s7], [sflag:s8] =	dma.local @!p0 [hbm:s6], $0xF7A  }
0x23: {  	s9 =	sor.u32 $0xD0000000, s2;
	s6 =	simm.s32 $0x108;
	_ =	swait.ge @!p0 [sflag:s8], $0x0  }
0x24: {  	s3 =	sadd.s32 $0x88, s3;
	s6 =	simm.s32 @!p1 $0x1082;
	[sflag:s4] =	ssyncset.s32 $0xFFFFF086  }
0x25: {  	[simem:s6], [sflag:s4] =	dma.local [hbm:s3], $0xF7A  }
0x26: {  	[smem:$0x3F93] =	sst s1;
	(tag) =	ssettag s2;
	_ =	strace s9  }
0x27: {  	s1 =	sld [smem:$0x3FA3]  }
0x28: {  	s2 =	sld [smem:$0x3FA4]  }
0x29: {  	s4 =	sld [smem:$0x3FA6]  }
0x2a: {  	p0 =	seq.s32 s5, $0x0;
	s5 =	sld [smem:$0x3FA7]  }
0x2b: {  	s6 =	sld [smem:$0x3FA8]  }
0x2c: {  	s7 =	sld [smem:$0x3FA9]  }
0x2d: {  	s3 =	simm.s32 $0x108;
	s8 =	sld [smem:$0x3FAA]  }
0x2e: {  	s3 =	simm.s32 @!p0 $0x1082;
	s9 =	sld [smem:$0x3FAB]  }
0x2f: {  	lr =	sadd.s32 s0, s3;
	s0 =	sld [smem:$0x3FA2]  }
0x30: {  	s3 =	sld [smem:$0x3FA5]  }
0x31: {  	[smem:$0x3FAE] =	sst s10  }
0x32: {  	s10 =	sld [smem:$0x3FAC];
	_ =	sdelay $0x3  }
0x33: {  	p0 =	seq.s32 s10, $0x1;
	s10 =	sld [smem:$0x3FAE];
	_ =	sdelay $0x3  }
0x34: {  	[smem:$0x3FAE] =	sst s10  }
0x35: {  	s10 =	sld [smem:$0x3FAD];
	_ =	sdelay $0x3  }
0x36: {  	p1 =	seq.s32 s10, $0x1;
	s10 =	sld [smem:$0x3FAE];
	_ =	sdelay $0x3  }
0x37: {  	[smem:$0x3FAE] =	sst s10  }
0x38: {  	s10 =	sld [smem:$0x3FAF]  }
0x39: {  	_ = 	snop;
	(pc) =	sbr.ind lr, $3  }
0x3a: {  	_ = 	snop  }
0x3b: {  	_ = 	snop  }
0x3c: {  	p2 =	seq.s32 s10, $0x1;
	s10 =	sld [smem:$0x3FAE]  }
0x3d: {  	_ =	shalt  }
0x3e: {  	_ =	shalt  }
0x3f: {  	_ =	shalt  }
0x40: {  	_ =	shalt  }
0x41: {  	_ =	shalt  }
0x42: {  	_ =	shalt  }
0x43: {  	_ =	shalt  }
0x44: {  	_ =	shalt  }
0x45: {  	_ =	shalt  }
0x46: {  	_ =	shalt  }
0x47: {  	_ =	shalt  }
0x48: {  	_ =	shalt  }
0x49: {  	_ =	shalt  }
0x4a: {  	_ =	shalt  }
0x4b: {  	_ =	shalt  }
0x4c: {  	_ =	shalt  }
0x4d: {  	_ =	shalt  }
0x4e: {  	_ =	shalt  }
0x4f: {  	_ =	shalt  }
0x50: {  	_ =	shalt  }
0x51: {  	_ =	shalt  }
0x52: {  	_ =	shalt  }
0x53: {  	_ =	shalt  }
0x54: {  	_ =	shalt  }
0x55: {  	_ =	shalt  }
0x56: {  	_ =	shalt  }
0x57: {  	_ =	shalt  }
0x58: {  	_ =	shalt  }
0x59: {  	_ =	shalt  }
0x5a: {  	_ =	shalt  }
0x5b: {  	_ =	shalt  }
0x5c: {  	_ =	shalt  }
0x5d: {  	_ =	shalt  }
0x5e: {  	_ =	shalt  }
0x5f: {  	_ =	shalt  }
0x60: {  	_ =	shalt  }
0x61: {  	_ =	shalt  }
0x62: {  	_ =	shalt  }
0x63: {  	_ =	shalt  }
0x64: {  	_ =	shalt  }
0x65: {  	_ =	shalt  }
0x66: {  	_ =	shalt  }
0x67: {  	_ =	shalt  }
0x68: {  	_ =	shalt  }
0x69: {  	_ =	shalt  }
0x6a: {  	_ =	shalt  }
0x6b: {  	_ =	shalt  }
0x6c: {  	_ =	shalt  }
0x6d: {  	_ =	shalt  }
0x6e: {  	_ =	shalt  }
0x6f: {  	_ =	shalt  }
0x70: {  	_ =	shalt  }
0x71: {  	_ =	shalt  }
0x72: {  	_ =	shalt  }
0x73: {  	_ =	shalt  }
0x74: {  	_ =	shalt  }
0x75: {  	_ =	shalt  }
0x76: {  	_ =	shalt  }
0x77: {  	_ =	shalt  }
0x78: {  	_ =	shalt  }
0x79: {  	_ =	shalt  }
0x7a: {  	_ =	shalt  }
0x7b: {  	_ =	shalt  }
0x7c: {  	_ =	shalt  }
0x7d: {  	_ =	shalt  }
0x7e: {  	_ =	shalt  }
0x7f: {  	_ =	shalt  }
0x80: {  	_ =	shalt  }
0x81: {  	_ =	shalt  }
0x82: {  	_ =	shalt  }
0x83: {  	_ =	shalt  }
0x84: {  	_ =	shalt  }
0x85: {  	_ =	shalt  }
0x86: {  	_ =	shalt  }
0x87: {  	_ =	shalt  }
.Lfunc_end0:
.L_simem_size_0:
called_computation_lowered:
.L_overlay_start_0:
0x88: {  	s2 =	sld [smem:$0x3FD9]  }
0x89: {  	s3 =	sld [smem:$0x3FFE];
	_ =	sdelay $0x1  }
0x8a: {  	s1 =	srdreg.scid  }
0x8b: {  	s0 =	sand.u32 $0x1, s1  }
0x8c: {  	s17 =	sshll.u32 s0, $0xA;
	s2 =	sadd.s32 s3, s2  }
0x8d: {  	s2 =	sadd.s32 s2, s17  }
0x8e: {  	[smem:$0x3FBA] =	sst s2  }
0x8f: {  	_ = 	snop  }
0x90: {  	s2 =	sld [smem:$0x3FC7];
	(tm) =	ssettm $0x1  }
0x91: {  	s18 =	sld [smem:$0x3FFB];
	_ =	sdelay $0x3  }
0x92: {  	_ =	strace s18  }
0x93: {  	s3 =	sld [smem:$0x3FFC];
	_ =	sdelay $0x3  }
0x94: {  	_ =	strace s3  }
0x95: {  	s3 =	sld [smem:$0x3FFD];
	_ =	sdelay $0x3  }
0x96: {  	_ =	strace s3  }
0x97: {  	_ =	strace $0x8FFFFFFF  }
0x98: {  	s19 =	sld [smem:$0x3FDB];
	_ =	sdelay $0x1  }
0x99: {  	s4 =	simm.s32 $_scs_section_size  }
0x9a: {  	s5 =	simm.s32 $_size__tile_overlayer_lowered;
	s6 =	simm.s32 $_tile_overlayer_lowered  }
0x9b: {  	s22 =	simm.s32 $0x1BFF;
	s21 =	sshll.u32 s6, $0x1;
	s3 =	sadd.s32 s4, s19  }
0x9c: {  	s7 =	simm.s32 $0x0;
	s20 =	sshll.u32 s5, $0x1;
	s5 =	sadd.s32 s21, s3  }
0x9d: {  	[timem:s7], [sflag:s22] =	dma.local [hbm:s5], s20  }
0x9e: {  	_ =	swait.ge [sflag:s22], s20  }
0x9f: {  	s4 =	ssub.s32 $0x0, s20;
	[sflag:s22] =	ssyncset.done $0x0  }
0xa0: {  	[sflag:s22] =	ssyncadd.s32 s4;
	_ =	sdelay $0x1  }
0xa1: {  	s23 =	simm.s32 $0x1B8B  }
0xa2: {  	_ =	swait.ge [sflag:s23], $0x1  }
0xa3: {  	[sflag:s23] =	ssyncset.done $0x0  }
0xa4: {  	s25 =	simm.s32 $0x1B8E;
	s24 =	sld [smem:$0x3FFE];
	[sflag:s23] =	ssyncadd.s32 $0xFFFFFFFF  }
0xa5: {  	s26 =	simm.s32 $execute0_lowered;
	[smem:$0x3FD2] =	sst s25  }
0xa6: {  	s5 =	sshll.u32 s26, $0x1;
	_ =	strace $0x80000046;
	[dreg:$0x1] =	wrdreg $0xFFFFFFFF  }
0xa7: {  	s28 =	simm.s32 $_size_execute0_lowered;
	s3 =	sadd.s32 s3, s5;
	[dreg:$0x0] =	wrdreg $0x0  }
0xa8: {  	s5 =	sshll.u32 s28, $0x1;
	[dreg:$0x2] =	wrdreg s3  }
0xa9: {  	[dreg:$0x3] =	wrdreg s5  }
0xaa: {  	[dreg:$0x4] =	wrdreg $0xC0  }
0xab: {  	_ =	task [dreg:s7], $0x5FFFF  }
0xac: {  	[dreg:$0x1] =	wrdreg $0xFFFFFFFF  }
0xad: {  	[dreg:$0x0] =	wrdreg $0x60  }
0xae: {  	[dreg:$0x2] =	wrdreg s24  }
0xaf: {  	[dreg:$0x3] =	wrdreg s2  }
0xb0: {  	[dreg:$0x4] =	wrdreg $0x14D000  }
0xb1: {  	[dreg:$0x5] =	wrdreg $0x9  }
0xb2: {  	_ =	task.clear_ibuf [dreg:s7], $0x6FFFF;
	_ =	strace $0x90000046  }
0xb3: {  	s29 =	simm.s32 $0x9;
	_ =	strace $0x80000048  }
0xb4: {  	_ =	swait.ge [sflag:s29], $0x1  }
0xb5: {  	[sflag:s29] =	ssyncadd.s32 $0xFFFFFFFF  }
0xb6: {  	_ =	strace $0x90000048  }
0xb7: {  	_ =	sfence  }
0xb8: {  	s30 =	sld [smem:$0x0];
	_ =	sdelay $0x2  }
0xb9: {  	s31 =	sshll.u32 s1, $0xD;
	s1 =	sshrl.u32 s1, $0x2  }
0xba: {  	s3 =	sand.u32 $0x4000, s31;
	s1 =	sadd.s32 s1, s30  }
0xbb: {  	s0 =	sor.u32 s3, s0;
	s1 =	sshll.u32 s1, $0x11  }
0xbc: {  	s0 =	sor.u32 s1, s0  }
0xbd: {  	s0 =	sadd.s32 $0x8F2B, s0  }
0xbe: {  	[sflag:s0] =	ssyncadd.remote.s32 $0x1  }
0xbf: {  	_ =	sfence.sel $0xFFFF  }
0xc0: {  	[dreg:$0x0] =	wrdreg $0xFFFFFFFF;
	(pc) =	sbr.abs _section_cstart, $3  }
0xc1: {  	[dreg:$0x1] =	wrdreg $0xFFFFFFFF  }
0xc2: {  	_ =	task.clear_ibuf [dreg:s7], $0x2FFFF;
	_ =	strace $0x9FFFFFFF  }
0xc3: {  	(tm) =	ssettm $0x7FFFFFFF  }
tec
execute0_lowered:
.L_overlay_start_1:
0x0: {  	(tag) =	ssettag $0x1  }
0x1: {  	s4 =	rddreg [dreg:$0x0]  }
0x2: {  	s8 =	rddreg [dreg:$0x1]  }
0x3: {  	s1 =	rddreg [dreg:$0x2];
	s2 =	simm.s32 $0x0  }
0x4: {  	s3 =	srdreg.scid;
	s19 =	stileid.u32;
	s18 =	simm.s32 $0x2  }
0x5: {  	s20 =	simm.s32 $0x80;
	s21 =	simm.s32 $0x1;
	s22 =	simm.s32 $0x0  }
0x6: {  	[smem:$0x7FF] =	sst s2;
	s5 =	sand.u32 $0x1, s3;
	s6 =	sshll.u32 s19, $0x1  }
0x7: {  	s3 =	sadd.s32 $0x1C00, s4;
	s11 =	sadd.s32 $0xED0, s1;
	s12 =	sadd.s32 $0x1DA0, s1  }
0x8: {  	s13 =	sadd.s32 $0x2C70, s1;
	s14 =	sadd.s32 $0x3B40, s1;
	s15 =	sadd.s32 $0x4A10, s1  }
0x9: {  	s16 =	sadd.s32 $0x58E0, s1;
	s17 =	sadd.s32 $0x67B0, s1;
	p1 =	sne.s32 s19, $0x0  }
0xa: {  	s19 =	simm.s32 $0x13E00;
	_ =	strace $0x80000047;
	s7 =	sshll.u32 s5, $0x4  }
0xb: {  	s6 =	sor.u32 s5, s6;
	s5 =	ssub.s32 $0x2, s5;
	s9 =	sadd.s32 s7, s4  }
0xc: {  	s31 =	smul.u32 $0x500, s6;
	s10 =	sshrl.u32 s5, $0x1;
	p0 =	seq.s32 s6, $0x1F  }
0xd: {  	s4 =	simm.s32 $0x1400;
	s7 =	sadd.s32 $0x9B00, s8;
	s10 =	ssub.s32 s5, s10  }
0xe: {  	s4 =	simm.s32 @!p0 $0x5000;
	s9 =	sadd.s32 $0x3000, s9;
	s5 =	sadd.s32 s8, s31  }
0xf: {  	v0 =	vimm.f32 $0.0e+00;
	s8 =	sadd.s32 $0x9B10, s8;
	s10 =	smax.u32 s10, $0x1;
	s6 =	sadd.s32 $0x10, s5  }
.LBB2_1:
0x10: {  	[tilespmem:s2], [sflag:$0x2] =	stream.linear.gather [hbm4b:s3+s2], $0x9E00, $0x38;
	[tilespmem:$0x15468] =	vst v63  }
0x11: {  	_ =	swait.ge [sflag:s18], $0x9E00  }
0x12: {  	s23 =	simm.s32 @p0 $0x80;
	[sflag:s18] =	ssyncset.done $0x0  }
0x13: {  	s24 =	simm.s32 @p0 $0x100;
	s25 =	simm.s32 @p0 $0x9E00;
	[sflag:s18] =	ssyncadd.s32 $0xFFFF6200  }
0x14: {  	[tilespmem:s25], [sflag:$0x2] =	stream.strided.gather @p0 [hbm4b:s7+s23], $0x500, s24, s23, $0x38;
	[tilespmem:$0x15468] =	vst v63  }
0x15: {  	s25 =	simm.s32 @p0 $0x2  }
0x16: {  	_ =	swait.ge @p0 [sflag:s25], $0x500  }
0x17: {  	[sflag:s25] =	ssyncset.done @p0 $0x0  }
0x18: {  	s26 =	simm.s32 @p0 $0xB200;
	[sflag:s25] =	ssyncadd.s32 @p0 $0xFFFFFB00  }
0x19: {  	[tilespmem:s26], [sflag:$0x2] =	stream.strided.gather @p0 [hbm4b:s8+s23], $0x500, s24, s23, $0x38;
	[tilespmem:$0x15468] =	vst v63  }
0x1a: {  	_ =	swait.ge @p0 [sflag:s25], $0x500  }
0x1b: {  	s23 =	simm.s32 @!p0 $0x80;
	[sflag:s25] =	ssyncset.done @p0 $0x0  }
0x1c: {  	s24 =	simm.s32 @!p0 $0x100;
	[sflag:s25] =	ssyncadd.s32 @p0 $0xFFFFFB00;
	s25 =	simm.s32 @!p0 $0x9E00  }
0x1d: {  	[tilespmem:s25], [sflag:$0x2] =	stream.strided.gather @!p0 [hbm4b:s5+s23], $0x1400, s24, s23, $0x38;
	[tilespmem:$0x15468] =	vst v63  }
0x1e: {  	s25 =	simm.s32 @!p0 $0x2  }
0x1f: {  	_ =	swait.ge @!p0 [sflag:s25], $0x1400  }
0x20: {  	[sflag:s25] =	ssyncset.done @!p0 $0x0  }
.Ltmp0:
0x21: {  	s26 =	simm.s32 @!p0 $0xB200;
	[sflag:s25] =	ssyncadd.s32 @!p0 $0xFFFFEC00;
	(pc) =	sbr.rel @p1 .LBB2_5-.Ltmp0, $4  }
0x22: {  	[tilespmem:s26], [sflag:$0x2] =	stream.strided.gather @!p0 [hbm4b:s6+s23], $0x1400, s24, s23, $0x38;
	[tilespmem:$0x15468] =	vst v63  }
0x23: {  	_ =	swait.ge @!p0 [sflag:s25], $0x1400  }
0x24: {  	[sflag:s25] =	ssyncset.done @!p0 $0x0  }
0x25: {  	[sflag:s25] =	ssyncadd.s32 @!p0 $0xFFFFEC00  }
0x26: {  	s23 =	simm.s32 $0x40;
	s24 =	simm.s32 $0x0  }
.LBB2_3:
0x27: {  	p2 =	sne.s32 s23, $0x3B00;
	[tilespmem:s24+$0x13E00] =	vst v0;
	s24 =	smov.u32 s23;
	s23 =	sadd.s32 $0x40, s23  }
.Ltmp1:
0x28: {  	(pc) =	sbr.rel @p2 .LBB2_3-.Ltmp1, $2  }
0x29: {  	_ =	sdelay $0x2  }
0x2a: {  	s24 =	sshra.s32 s24, $0x2  }
0x2b: {  	[tilespmem:s24+$0x13E00] =	vst v0  }
0x2c: {  	[spmem:s1] =	stream.linear.scatter [tilespmem:s19], [sflag:$0x2], $0xED0, $0x38;
	[tilespmem:$0x15468] =	vst v63  }
0x2d: {  	_ =	swait.ge [sflag:s18], $0xED0  }
0x2e: {  	[sflag:s18] =	ssyncset.done $0x0  }
0x2f: {  	[sflag:s18] =	ssyncadd.s32 $0xFFFFF130  }
0x30: {  	[spmem:s11] =	stream.linear.scatter [tilespmem:s19], [sflag:$0x2], $0xED0, $0x38;
	[tilespmem:$0x15468] =	vst v63  }
0x31: {  	_ =	swait.ge [sflag:s18], $0xED0  }
0x32: {  	[sflag:s18] =	ssyncset.done $0x0  }
0x33: {  	[sflag:s18] =	ssyncadd.s32 $0xFFFFF130  }
0x34: {  	[spmem:s12] =	stream.linear.scatter [tilespmem:s19], [sflag:$0x2], $0xED0, $0x38;
	[tilespmem:$0x15468] =	vst v63  }
0x35: {  	_ =	swait.ge [sflag:s18], $0xED0  }
0x36: {  	[sflag:s18] =	ssyncset.done $0x0  }
0x37: {  	[sflag:s18] =	ssyncadd.s32 $0xFFFFF130  }
0x38: {  	[spmem:s13] =	stream.linear.scatter [tilespmem:s19], [sflag:$0x2], $0xED0, $0x38;
	[tilespmem:$0x15468] =	vst v63  }
0x39: {  	_ =	swait.ge [sflag:s18], $0xED0  }
0x3a: {  	[sflag:s18] =	ssyncset.done $0x0  }
0x3b: {  	[sflag:s18] =	ssyncadd.s32 $0xFFFFF130  }
0x3c: {  	[spmem:s14] =	stream.linear.scatter [tilespmem:s19], [sflag:$0x2], $0xED0, $0x38;
	[tilespmem:$0x15468] =	vst v63  }
0x3d: {  	_ =	swait.ge [sflag:s18], $0xED0  }
0x3e: {  	[sflag:s18] =	ssyncset.done $0x0  }
0x3f: {  	[sflag:s18] =	ssyncadd.s32 $0xFFFFF130  }
0x40: {  	[spmem:s15] =	stream.linear.scatter [tilespmem:s19], [sflag:$0x2], $0xED0, $0x38;
	[tilespmem:$0x15468] =	vst v63  }
0x41: {  	_ =	swait.ge [sflag:s18], $0xED0  }
0x42: {  	[sflag:s18] =	ssyncset.done $0x0  }
0x43: {  	[sflag:s18] =	ssyncadd.s32 $0xFFFFF130  }
0x44: {  	[spmem:s16] =	stream.linear.scatter [tilespmem:s19], [sflag:$0x2], $0xED0, $0x38;
	[tilespmem:$0x15468] =	vst v63  }
0x45: {  	_ =	swait.ge [sflag:s18], $0xED0  }
0x46: {  	[sflag:s18] =	ssyncset.done $0x0  }
0x47: {  	[sflag:s18] =	ssyncadd.s32 $0xFFFFF130  }
0x48: {  	[spmem:s17] =	stream.linear.scatter [tilespmem:s19], [sflag:$0x2], $0xED0, $0x38;
	[tilespmem:$0x15468] =	vst v63  }
0x49: {  	_ =	swait.ge [sflag:s18], $0xED0  }
0x4a: {  	[sflag:s18] =	ssyncset.done $0x0  }
0x4b: {  	[sflag:s18] =	ssyncadd.s32 $0xFFFFF130  }
.LBB2_5:
0x4c: {  	[bflag:$0x0] =	sbarrier.arrive $0xFFFF;
	s23 =	simm.s32 $0x0  }
0x4d: {  	v1 =	vld [tilespmem:s23+$0xB200]  }
0x4e: {  	v2 =	vld [tilespmem:s23+$0x9E00];
	_ =	sdelay $0x4  }
0x4f: {  	v3 =	vshll.u32 v1, $0x2;
	v4 =	vand.u32 $0x7F, v1;
	v5 =	vshll.u32 v2, $0x2  }
0x50: {  	v2 =	vand.u32 $0x7F, v2;
	v3 =	vand.u32 $0xFFFFFE00, v3;
	v14 =	vand.u32 $0xFFFFFE00, v5  }
0x51: {  	v3 =	vor.u32 v3, v4;
	v2 =	vor.u32 v2, v14  }
0x52: {  	v3 =	vor.u32 $0x80, v3;
	_ =	sdelay $0x3  }
0x53: {  	v4 =	vld.idx.msk [tilespmem:v2+s2+$0x0], $0xffff  }
0x54: {  	v3 =	vld.idx.msk [tilespmem:v3+s2+$0x0], $0xffff;
	_ =	sdelay $0x4  }
0x55: {  	v3 =	vadd.f32 v3, v4;
	_ =	sdelay $0x1  }
0x56: {  	v4 =	vmul.f32 $2.000000030e-01, v3  }
0x57: {  	vm0 =	vgt.f32 v3, $0.0e+00  }
0x58: {  	v3 =	vsel vm0, v3, v4  }
0x59: {  	v3 =	vmul.f32 $1.442695020e+00, v3;
	_ =	sdelay $0x1  }
0x5a: {  	v15 =	vor.u32 $0x100, v2;
	(erf) = vpow2.f32 v3  }
0x5b: {  	v16 =	vld [tilespmem:s23+$0x9E10];
	v2 =	vor.u32 $0x180, v2  }
0x5c: {  	v3 =	vld [tilespmem:s23+$0xB210];
	_ =	sdelay $0x2  }
0x5d: {  	v4 =	vld.idx.msk [tilespmem:v15+s2+$0x0], $0xffff  }
0x5e: {  	v6 =	vadd.s32 $0x4F00, v1;
	v2 =	vld.idx.msk [tilespmem:v2+s2+$0x0], $0xffff  }
0x5f: {  	v8 =	vshll.u32 v16, $0x2;
	v5 =	vand.u32 $0x7F, v16;
	v7 =	vshll.u32 v3, $0x2  }
0x60: {  	v8 =	vand.u32 $0xFFFFFE00, v8;
	[tilespmem:s23+$0xC600] =	vst v1;
	v9 =	vand.u32 $0x7F, v3;
	v7 =	vand.u32 $0xFFFFFE00, v7  }
0x61: {  	v5 =	vor.u32 v5, v8;
	v1 =	vadd.s32 $0x2780, v1;
	[tilespmem:s23+$0xEE00] =	vst v6;
	v7 =	vor.u32 v7, v9;
	v17 =	vpop (erf)  }
0x62: {  	[tilespmem:s23+$0xDA00] =	vst v1;
	v1 =	vor.u32 $0x80, v7;
	v4 =	vmul.f32 v17, v4  }
0x63: {  	v2 =	vmul.f32 v17, v2;
	[tilespmem:s23+$0x10200] =	vst v17  }
0x64: {  	[tilespmem:s23+$0x11600] =	vst v4  }
0x65: {  	[tilespmem:s23+$0x12A00] =	vst v2  }
0x66: {  	v2 =	vld.idx.msk [tilespmem:v5+s2+$0x0], $0xffff  }
0x67: {  	v1 =	vld.idx.msk [tilespmem:v1+s2+$0x0], $0xffff;
	_ =	sdelay $0x4  }
0x68: {  	v1 =	vadd.f32 v1, v2;
	_ =	sdelay $0x1  }
0x69: {  	v2 =	vmul.f32 $2.000000030e-01, v1  }
0x6a: {  	vm9 =	vgt.f32 v1, $0.0e+00  }
0x6b: {  	v1 =	vsel vm9, v1, v2  }
0x6c: {  	v1 =	vmul.f32 $1.442695020e+00, v1;
	_ =	sdelay $0x1  }
0x6d: {  	v2 =	vor.u32 $0x100, v5;
	(erf) = vpow2.f32 v1  }
0x6e: {  	v18 =	vld [tilespmem:s23+$0xB220];
	v1 =	vor.u32 $0x180, v5  }
0x6f: {  	v19 =	vld [tilespmem:s23+$0x9E20];
	_ =	sdelay $0x2  }
0x70: {  	v2 =	vld.idx.msk [tilespmem:v2+s2+$0x0], $0xffff  }
0x71: {  	v20 =	vand.u32 $0x7F, v18;
	v21 =	vshll.u32 v18, $0x2;
	v1 =	vld.idx.msk [tilespmem:v1+s2+$0x0], $0xffff  }
0x72: {  	v23 =	vand.u32 $0x7F, v19;
	v22 =	vadd.s32 $0x4F00, v3;
	v5 =	vshll.u32 v19, $0x2  }
0x73: {  	v10 =	vadd.s32 $0x2780, v3;
	v7 =	vand.u32 $0xFFFFFE00, v21;
	v5 =	vand.u32 $0xFFFFFE00, v5;
	[tilespmem:s23+$0xEE10] =	vst v22  }
0x74: {  	v6 =	vor.u32 v7, v20;
	v5 =	vor.u32 v23, v5;
	[tilespmem:s23+$0xDA10] =	vst v10;
	v24 =	vpop (erf)  }
0x75: {  	[tilespmem:s23+$0xC610] =	vst v3;
	v3 =	vor.u32 $0x80, v6;
	v2 =	vmul.f32 v24, v2  }
0x76: {  	v1 =	vmul.f32 v24, v1;
	[tilespmem:s23+$0x10210] =	vst v24  }
0x77: {  	[tilespmem:s23+$0x11610] =	vst v2  }
0x78: {  	[tilespmem:s23+$0x12A10] =	vst v1  }
0x79: {  	v1 =	vld.idx.msk [tilespmem:v5+s2+$0x0], $0xffff  }
0x7a: {  	v2 =	vld.idx.msk [tilespmem:v3+s2+$0x0], $0xffff;
	_ =	sdelay $0x4  }
0x7b: {  	v1 =	vadd.f32 v2, v1;
	_ =	sdelay $0x1  }
0x7c: {  	v2 =	vmul.f32 $2.000000030e-01, v1  }
0x7d: {  	vm10 =	vgt.f32 v1, $0.0e+00  }
0x7e: {  	v1 =	vsel vm10, v1, v2  }
0x7f: {  	v1 =	vmul.f32 $1.442695020e+00, v1;
	_ =	sdelay $0x1  }
0x80: {  	v2 =	vor.u32 $0x100, v5;
	(erf) = vpow2.f32 v1  }
0x81: {  	v25 =	vld [tilespmem:s23+$0x9E30];
	v1 =	vor.u32 $0x180, v5  }
0x82: {  	v3 =	vld [tilespmem:s23+$0xB230];
	_ =	sdelay $0x2  }
0x83: {  	v2 =	vld.idx.msk [tilespmem:v2+s2+$0x0], $0xffff  }
0x84: {  	v28 =	vadd.s32 $0x4F00, v18;
	v29 =	vand.u32 $0x7F, v25;
	v1 =	vld.idx.msk [tilespmem:v1+s2+$0x0], $0xffff  }
0x85: {  	v30 =	vadd.s32 $0x2780, v18;
	v27 =	vshll.u32 v3, $0x2;
	v5 =	vshll.u32 v25, $0x2  }
0x86: {  	v26 =	vand.u32 $0x7F, v3;
	v7 =	vand.u32 $0xFFFFFE00, v27;
	v5 =	vand.u32 $0xFFFFFE00, v5;
	[tilespmem:s23+$0xEE20] =	vst v28  }
0x87: {  	v6 =	vor.u32 v7, v26;
	v5 =	vor.u32 v29, v5;
	[tilespmem:s23+$0xDA20] =	vst v30;
	v31 =	vpop (erf)  }
0x88: {  	v6 =	vor.u32 $0x80, v6;
	[tilespmem:s23+$0xC620] =	vst v18;
	v2 =	vmul.f32 v31, v2  }
0x89: {  	[tilespmem:s23+$0x10220] =	vst v31;
	v1 =	vmul.f32 v31, v1  }
0x8a: {  	[tilespmem:s23+$0x11620] =	vst v2  }
0x8b: {  	[tilespmem:s23+$0x12A20] =	vst v1  }
0x8c: {  	v1 =	vld.idx.msk [tilespmem:v5+s2+$0x0], $0xffff  }
0x8d: {  	v2 =	vld.idx.msk [tilespmem:v6+s2+$0x0], $0xffff;
	_ =	sdelay $0x4  }
0x8e: {  	v1 =	vadd.f32 v2, v1;
	_ =	sdelay $0x1  }
0x8f: {  	v2 =	vmul.f32 $2.000000030e-01, v1  }
0x90: {  	vm11 =	vgt.f32 v1, $0.0e+00  }
0x91: {  	v1 =	vsel vm11, v1, v2  }
0x92: {  	v1 =	vmul.f32 $1.442695020e+00, v1;
	_ =	sdelay $0x1  }
0x93: {  	v2 =	vor.u32 $0x100, v5;
	(erf) = vpow2.f32 v1  }
0x94: {  	v32 =	vld [tilespmem:s23+$0xB240];
	v1 =	vor.u32 $0x180, v5  }
0x95: {  	v33 =	vld [tilespmem:s23+$0x9E40];
	_ =	sdelay $0x2  }
0x96: {  	v2 =	vld.idx.msk [tilespmem:v2+s2+$0x0], $0xffff  }
0x97: {  	v35 =	vand.u32 $0x7F, v32;
	v36 =	vshll.u32 v32, $0x2;
	v1 =	vld.idx.msk [tilespmem:v1+s2+$0x0], $0xffff  }
0x98: {  	v37 =	vand.u32 $0x7F, v33;
	v34 =	vadd.s32 $0x4F00, v3;
	v5 =	vshll.u32 v33, $0x2  }
0x99: {  	v8 =	vand.u32 $0xFFFFFE00, v36;
	v38 =	vadd.s32 $0x2780, v3;
	v5 =	vand.u32 $0xFFFFFE00, v5;
	[tilespmem:s23+$0xEE30] =	vst v34  }
0x9a: {  	v39 =	vor.u32 v8, v35;
	v5 =	vor.u32 v37, v5;
	[tilespmem:s23+$0xDA30] =	vst v38;
	v40 =	vpop (erf)  }
0x9b: {  	[tilespmem:s23+$0xC630] =	vst v3;
	v3 =	vor.u32 $0x80, v39;
	v2 =	vmul.f32 v40, v2  }
0x9c: {  	v1 =	vmul.f32 v40, v1;
	[tilespmem:s23+$0x10230] =	vst v40  }
0x9d: {  	[tilespmem:s23+$0x11630] =	vst v2  }
0x9e: {  	[tilespmem:s23+$0x12A30] =	vst v1  }
0x9f: {  	v1 =	vld.idx.msk [tilespmem:v5+s2+$0x0], $0xffff  }
0xa0: {  	v2 =	vld.idx.msk [tilespmem:v3+s2+$0x0], $0xffff;
	_ =	sdelay $0x4  }
0xa1: {  	v1 =	vadd.f32 v2, v1;
	_ =	sdelay $0x1  }
0xa2: {  	v2 =	vmul.f32 $2.000000030e-01, v1  }
0xa3: {  	vm12 =	vgt.f32 v1, $0.0e+00  }
0xa4: {  	v1 =	vsel vm12, v1, v2  }
0xa5: {  	v1 =	vmul.f32 $1.442695020e+00, v1;
	_ =	sdelay $0x1  }
0xa6: {  	v2 =	vor.u32 $0x100, v5;
	(erf) = vpow2.f32 v1  }
0xa7: {  	v41 =	vld [tilespmem:s23+$0x9E50];
	v1 =	vor.u32 $0x180, v5  }
0xa8: {  	v3 =	vld [tilespmem:s23+$0xB250];
	_ =	sdelay $0x2  }
0xa9: {  	v2 =	vld.idx.msk [tilespmem:v2+s2+$0x0], $0xffff  }
0xaa: {  	v42 =	vadd.s32 $0x2780, v32;
	v45 =	vshll.u32 v41, $0x2;
	v1 =	vld.idx.msk [tilespmem:v1+s2+$0x0], $0xffff  }
0xab: {  	v43 =	vadd.s32 $0x4F00, v32;
	v48 =	vand.u32 $0xFFFFFE00, v45;
	v44 =	vshll.u32 v3, $0x2  }
0xac: {  	v46 =	vand.u32 $0x7F, v3;
	v47 =	vand.u32 $0xFFFFFE00, v44;
	v5 =	vand.u32 $0x7F, v41;
	[tilespmem:s23+$0xDA40] =	vst v42  }
0xad: {  	v6 =	vor.u32 v47, v46;
	v5 =	vor.u32 v5, v48;
	[tilespmem:s23+$0xEE40] =	vst v43;
	v49 =	vpop (erf)  }
0xae: {  	v50 =	vor.u32 $0x80, v6;
	[tilespmem:s23+$0xC640] =	vst v32;
	v2 =	vmul.f32 v49, v2  }
0xaf: {  	[tilespmem:s23+$0x10240] =	vst v49;
	v1 =	vmul.f32 v49, v1  }
0xb0: {  	[tilespmem:s23+$0x11640] =	vst v2  }
0xb1: {  	[tilespmem:s23+$0x12A40] =	vst v1  }
0xb2: {  	v1 =	vld.idx.msk [tilespmem:v5+s2+$0x0], $0xffff  }
0xb3: {  	v2 =	vld.idx.msk [tilespmem:v50+s2+$0x0], $0xffff;
	_ =	sdelay $0x4  }
0xb4: {  	v1 =	vadd.f32 v2, v1  }
0xb5: {  	v51 =	vor.u32 $0x100, v5  }
0xb6: {  	v5 =	vor.u32 $0x180, v5;
	v2 =	vmul.f32 $2.000000030e-01, v1  }
0xb7: {  	vm13 =	vgt.f32 v1, $0.0e+00  }
0xb8: {  	v1 =	vsel vm13, v1, v2  }
0xb9: {  	v1 =	vmul.f32 $1.442695020e+00, v1  }
0xba: {  	v4 =	vld.idx.msk [tilespmem:v51+s2+$0x0], $0xffff;
	v2 =	vadd.s32 $0x2780, v3  }
0xbb: {  	v5 =	vld.idx.msk [tilespmem:v5+s2+$0x0], $0xffff;
	[tilespmem:s23+$0xDA50] =	vst v2;
	v2 =	vadd.s32 $0x4F00, v3;
	(erf) = vpow2.f32 v1  }
0xbc: {  	[tilespmem:s23+$0xEE50] =	vst v2;
	v2 =	vld [tilespmem:s23+$0x9E60]  }
0xbd: {  	v1 =	vld [tilespmem:s23+$0xB260];
	_ =	sdelay $0x4  }
0xbe: {  	[tilespmem:s23+$0xC650] =	vst v3;
	v52 =	vshll.u32 v2, $0x2;
	v2 =	vand.u32 $0x7F, v2;
	v3 =	vshll.u32 v1, $0x2  }
0xbf: {  	v53 =	vand.u32 $0x7F, v1;
	v6 =	vand.u32 $0xFFFFFE00, v52;
	v3 =	vand.u32 $0xFFFFFE00, v3  }
0xc0: {  	v2 =	vor.u32 v2, v6;
	v3 =	vor.u32 v3, v53;
	v54 =	vpop (erf)  }
0xc1: {  	v3 =	vor.u32 $0x80, v3;
	v4 =	vmul.f32 v54, v4  }
0xc2: {  	[tilespmem:s23+$0x10250] =	vst v54;
	v5 =	vmul.f32 v54, v5  }
0xc3: {  	[tilespmem:s23+$0x11650] =	vst v4  }
0xc4: {  	[tilespmem:s23+$0x12A50] =	vst v5  }
0xc5: {  	v4 =	vld.idx.msk [tilespmem:v2+s2+$0x0], $0xffff  }
0xc6: {  	v3 =	vld.idx.msk [tilespmem:v3+s2+$0x0], $0xffff;
	_ =	sdelay $0x4  }
0xc7: {  	v3 =	vadd.f32 v3, v4  }
0xc8: {  	v55 =	vor.u32 $0x100, v2  }
0xc9: {  	v2 =	vor.u32 $0x180, v2;
	v4 =	vmul.f32 $2.000000030e-01, v3  }
0xca: {  	vm14 =	vgt.f32 v3, $0.0e+00  }
0xcb: {  	v3 =	vsel vm14, v3, v4  }
0xcc: {  	v3 =	vmul.f32 $1.442695020e+00, v3  }
0xcd: {  	v5 =	vld.idx.msk [tilespmem:v55+s2+$0x0], $0xffff  }
0xce: {  	v56 =	vadd.s32 $0x2780, v1;
	v2 =	vld.idx.msk [tilespmem:v2+s2+$0x0], $0xffff;
	[tilespmem:s23+$0xC660] =	vst v1;
	v1 =	vadd.s32 $0x4F00, v1;
	(erf) = vpow2.f32 v3  }
0xcf: {  	[tilespmem:s23+$0xEE60] =	vst v1;
	v1 =	vld [tilespmem:s23+$0xB270]  }
0xd0: {  	v3 =	vld [tilespmem:s23+$0x9E70];
	_ =	sdelay $0x4  }
0xd1: {  	v57 =	vshll.u32 v1, $0x2;
	v59 =	vand.u32 $0x7F, v1;
	v58 =	vshll.u32 v3, $0x2  }
0xd2: {  	v4 =	vand.u32 $0xFFFFFE00, v57;
	v3 =	vand.u32 $0x7F, v3;
	v6 =	vand.u32 $0xFFFFFE00, v58  }
0xd3: {  	v4 =	vor.u32 v4, v59;
	v3 =	vor.u32 v3, v6;
	v60 =	vpop (erf)  }
0xd4: {  	[tilespmem:s23+$0xDA60] =	vst v56;
	v4 =	vor.u32 $0x80, v4;
	v5 =	vmul.f32 v60, v5  }
0xd5: {  	[tilespmem:s23+$0x10260] =	vst v60;
	v2 =	vmul.f32 v60, v2  }
0xd6: {  	[tilespmem:s23+$0x11660] =	vst v5  }
0xd7: {  	[tilespmem:s23+$0x12A60] =	vst v2  }
0xd8: {  	v2 =	vld.idx.msk [tilespmem:v3+s2+$0x0], $0xffff  }
0xd9: {  	v4 =	vld.idx.msk [tilespmem:v4+s2+$0x0], $0xffff;
	_ =	sdelay $0x4  }
0xda: {  	v2 =	vadd.f32 v4, v2;
	_ =	sdelay $0x1  }
0xdb: {  	v4 =	vmul.f32 $2.000000030e-01, v2  }
0xdc: {  	vm15 =	vgt.f32 v2, $0.0e+00  }
0xdd: {  	v2 =	vsel vm15, v2, v4  }
0xde: {  	v2 =	vmul.f32 $1.442695020e+00, v2  }
0xdf: {  	v61 =	vor.u32 $0x100, v3;
	v3 =	vor.u32 $0x180, v3  }
0xe0: {  	(erf) = vpow2.f32 v2;
	_ =	sdelay $0x3  }
0xe1: {  	v3 =	vld.idx.msk [tilespmem:v3+s2+$0x0], $0xffff  }
0xe2: {  	p2 =	sne.s32 s4, $0x200;
	v2 =	vld.idx.msk [tilespmem:v61+s2+$0x0], $0xffff  }
.Ltmp2:
0xe3: {  	v62 =	vadd.s32 $0x2780, v1;
	(pc) =	sbr.rel @!p2 .LBB2_7-.Ltmp2, $4  }
0xe4: {  	v63 =	vadd.s32 $0x4F00, v1;
	[tilespmem:s23+$0xDA70] =	vst v62  }
0xe5: {  	[tilespmem:s23+$0xEE70] =	vst v63  }
0xe6: {  	[tilespmem:s23+$0xC670] =	vst v1;
	v1 =	vpop (erf)  }
0xe7: {  	s24 =	simm.s32 $0x0;
	s25 =	simm.s32 $0x200;
	s26 =	simm.s32 $0x0;
	[tilespmem:s23+$0x10270] =	vst v1;
	v2 =	vmul.f32 v1, v2;
	v1 =	vmul.f32 v1, v3  }
.LBB2_6:
0xe8: {  	s26 =	sadd.s32 $0x1, s26;
	s28 =	smov.u32 s25;
	s25 =	sadd.s32 $0x200, s25  }
0xe9: {  	s29 =	sadd.s32 $0x10200, s23;
	s30 =	sadd.s32 $0xC600, s23;
	p2 =	sne.s32 s4, s25;
	[tilespmem:s23+$0x11670] =	vst v2  }
0xea: {  	s31 =	sadd.s32 $0x11600, s23;
	s0 =	sadd.s32 $0xDA00, s23;
	[tilespmem:s23+$0x12A70] =	vst v1  }
0xeb: {  	[spmem:s1] =	stream.indirect.scatter.add.f32 [tilespmem:s29], [sflag:$0x1], $0x1, s30, s20, $0xb8;
	[tilespmem:$0x15468] =	vst v63  }
0xec: {  	p3 =	slt.u32 s24, $0x8;
	s29 =	sadd.s32 $0x12A00, s23;
	s23 =	sadd.s32 $0xEE00, s23  }
0xed: {  	[spmem:s1] =	stream.indirect.scatter.add.f32 [tilespmem:s31], [sflag:$0x1], $0x1, s0, s20, $0xb8;
	[tilespmem:$0x15468] =	vst v63  }
0xee: {  	s24 =	smov.u32 s26;
	s0 =	simm.s32 @!p3 $0x1  }
0xef: {  	[spmem:s1] =	stream.indirect.scatter.add.f32 [tilespmem:s29], [sflag:$0x1], $0x1, s23, s20, $0xb8;
	[tilespmem:$0x15468] =	vst v63  }
0xf0: {  	_ =	swait.ge @!p3 [sflag:s0], $0x80  }
0xf1: {  	[sflag:s0] =	ssyncset.done @!p3 $0x0  }
0xf2: {  	[sflag:s0] =	ssyncadd.s32 @!p3 $0xFFFFFF80  }
0xf3: {  	_ =	swait.ge @!p3 [sflag:s0], $0x80  }
0xf4: {  	[sflag:s0] =	ssyncset.done @!p3 $0x0  }
0xf5: {  	[sflag:s0] =	ssyncadd.s32 @!p3 $0xFFFFFF80  }
0xf6: {  	_ =	swait.ge @!p3 [sflag:s0], $0x80  }
0xf7: {  	[sflag:s0] =	ssyncset.done @!p3 $0x0  }
0xf8: {  	s23 =	sshra.s32 s28, $0x2;
	[sflag:s0] =	ssyncadd.s32 @!p3 $0xFFFFFF80  }
0xf9: {  	v1 =	vld [tilespmem:s23+$0xB200]  }
0xfa: {  	v2 =	vld [tilespmem:s23+$0x9E00];
	_ =	sdelay $0x3  }
0xfb: {  	v3 =	vshll.u32 v1, $0x2  }
0xfc: {  	v5 =	vand.u32 $0x7F, v1;
	v4 =	vshll.u32 v2, $0x2;
	v3 =	vand.u32 $0xFFFFFE00, v3  }
0xfd: {  	v2 =	vand.u32 $0x7F, v2;
	v4 =	vand.u32 $0xFFFFFE00, v4;
	v3 =	vor.u32 v3, v5  }
0xfe: {  	v2 =	vor.u32 v2, v4;
	v3 =	vor.u32 $0x80, v3  }
0xff: {  	v4 =	vor.u32 $0x100, v2;
	v5 =	vor.u32 $0x180, v2;
	_ =	sdelay $0x3  }
0x100: {  	v3 =	vld.idx.msk [tilespmem:v3+s2+$0x0], $0xffff  }
0x101: {  	v2 =	vld.idx.msk [tilespmem:v2+s2+$0x0], $0xffff;
	_ =	sdelay $0x5  }
0x102: {  	v2 =	vadd.f32 v3, v2;
	_ =	sdelay $0x1  }
0x103: {  	v3 =	vmul.f32 $2.000000030e-01, v2  }
0x104: {  	vm0 =	vgt.f32 v2, $0.0e+00  }
0x105: {  	v2 =	vsel vm0, v2, v3  }
0x106: {  	v2 =	vmul.f32 $1.442695020e+00, v2;
	_ =	sdelay $0x1  }
0x107: {  	(erf) = vpow2.f32 v2  }
0x108: {  	v2 =	vld [tilespmem:s23+$0xB210]  }
0x109: {  	v3 =	vld [tilespmem:s23+$0x9E10]  }
0x10a: {  	v5 =	vld.idx.msk [tilespmem:v5+s2+$0x0], $0xffff  }
0x10b: {  	v4 =	vld.idx.msk [tilespmem:v4+s2+$0x0], $0xffff;
	_ =	sdelay $0x1  }
0x10c: {  	v6 =	vadd.s32 $0x4F00, v1;
	v7 =	vshll.u32 v2, $0x2  }
0x10d: {  	v9 =	vand.u32 $0x7F, v2;
	v8 =	vshll.u32 v3, $0x2;
	v7 =	vand.u32 $0xFFFFFE00, v7  }
0x10e: {  	v3 =	vand.u32 $0x7F, v3;
	[tilespmem:s23+$0xC600] =	vst v1;
	v8 =	vand.u32 $0xFFFFFE00, v8;
	v7 =	vor.u32 v7, v9  }
0x10f: {  	v1 =	vadd.s32 $0x2780, v1;
	[tilespmem:s23+$0xEE00] =	vst v6;
	v3 =	vor.u32 v3, v8;
	v6 =	vpop (erf)  }
0x110: {  	v4 =	vmul.f32 v6, v4;
	v5 =	vmul.f32 v6, v5;
	[tilespmem:s23+$0xDA00] =	vst v1;
	v1 =	vor.u32 $0x80, v7  }
0x111: {  	[tilespmem:s23+$0x10200] =	vst v6  }
0x112: {  	[tilespmem:s23+$0x11600] =	vst v4  }
0x113: {  	[tilespmem:s23+$0x12A00] =	vst v5  }
0x114: {  	v4 =	vld.idx.msk [tilespmem:v3+s2+$0x0], $0xffff  }
0x115: {  	v1 =	vld.idx.msk [tilespmem:v1+s2+$0x0], $0xffff;
	_ =	sdelay $0x5  }
0x116: {  	v1 =	vadd.f32 v1, v4;
	_ =	sdelay $0x1  }
0x117: {  	v4 =	vmul.f32 $2.000000030e-01, v1  }
0x118: {  	vm0 =	vgt.f32 v1, $0.0e+00  }
0x119: {  	v1 =	vsel vm0, v1, v4  }
0x11a: {  	v4 =	vor.u32 $0x180, v3;
	v1 =	vmul.f32 $1.442695020e+00, v1  }
0x11b: {  	v3 =	vor.u32 $0x100, v3  }
0x11c: {  	(erf) = vpow2.f32 v1  }
0x11d: {  	v1 =	vld [tilespmem:s23+$0xB220]  }
0x11e: {  	v5 =	vld [tilespmem:s23+$0x9E20]  }
0x11f: {  	v4 =	vld.idx.msk [tilespmem:v4+s2+$0x0], $0xffff  }
0x120: {  	v3 =	vld.idx.msk [tilespmem:v3+s2+$0x0], $0xffff;
	_ =	sdelay $0x1  }
0x121: {  	v6 =	vand.u32 $0x7F, v1;
	v7 =	vshll.u32 v1, $0x2  }
0x122: {  	v8 =	vadd.s32 $0x4F00, v2;
	v9 =	vand.u32 $0x7F, v5;
	v5 =	vshll.u32 v5, $0x2  }
0x123: {  	v10 =	vadd.s32 $0x2780, v2;
	[tilespmem:s23+$0xEE10] =	vst v8;
	v5 =	vand.u32 $0xFFFFFE00, v5;
	v8 =	vand.u32 $0xFFFFFE00, v7  }
0x124: {  	[tilespmem:s23+$0xDA10] =	vst v10;
	v5 =	vor.u32 v9, v5;
	v6 =	vor.u32 v8, v6;
	v7 =	vpop (erf)  }
0x125: {  	v3 =	vmul.f32 v7, v3;
	v4 =	vmul.f32 v7, v4;
	[tilespmem:s23+$0xC610] =	vst v2;
	v2 =	vor.u32 $0x80, v6  }
0x126: {  	[tilespmem:s23+$0x10210] =	vst v7  }
0x127: {  	[tilespmem:s23+$0x11610] =	vst v3  }
0x128: {  	[tilespmem:s23+$0x12A10] =	vst v4  }
0x129: {  	v3 =	vld.idx.msk [tilespmem:v5+s2+$0x0], $0xffff  }
0x12a: {  	v2 =	vld.idx.msk [tilespmem:v2+s2+$0x0], $0xffff;
	_ =	sdelay $0x5  }
0x12b: {  	v2 =	vadd.f32 v2, v3;
	_ =	sdelay $0x1  }
0x12c: {  	v3 =	vmul.f32 $2.000000030e-01, v2  }
0x12d: {  	vm0 =	vgt.f32 v2, $0.0e+00  }
0x12e: {  	v2 =	vsel vm0, v2, v3  }
0x12f: {  	v3 =	vor.u32 $0x180, v5;
	v2 =	vmul.f32 $1.442695020e+00, v2  }
0x130: {  	v4 =	vor.u32 $0x100, v5  }
0x131: {  	(erf) = vpow2.f32 v2  }
0x132: {  	v2 =	vld [tilespmem:s23+$0xB230]  }
0x133: {  	v5 =	vld [tilespmem:s23+$0x9E30]  }
0x134: {  	v3 =	vld.idx.msk [tilespmem:v3+s2+$0x0], $0xffff  }
0x135: {  	v4 =	vld.idx.msk [tilespmem:v4+s2+$0x0], $0xffff;
	_ =	sdelay $0x1  }
0x136: {  	v6 =	vand.u32 $0x7F, v2;
	v7 =	vshll.u32 v2, $0x2  }
0x137: {  	v8 =	vadd.s32 $0x4F00, v1;
	v9 =	vand.u32 $0x7F, v5;
	v5 =	vshll.u32 v5, $0x2  }
0x138: {  	v10 =	vadd.s32 $0x2780, v1;
	[tilespmem:s23+$0xEE20] =	vst v8;
	v5 =	vand.u32 $0xFFFFFE00, v5;
	v8 =	vand.u32 $0xFFFFFE00, v7  }
0x139: {  	[tilespmem:s23+$0xDA20] =	vst v10;
	v5 =	vor.u32 v9, v5;
	v6 =	vor.u32 v8, v6;
	v7 =	vpop (erf)  }
0x13a: {  	[tilespmem:s23+$0x10220] =	vst v7;
	v4 =	vmul.f32 v7, v4;
	v3 =	vmul.f32 v7, v3;
	v6 =	vor.u32 $0x80, v6  }
0x13b: {  	[tilespmem:s23+$0xC620] =	vst v1  }
0x13c: {  	[tilespmem:s23+$0x11620] =	vst v4  }
0x13d: {  	[tilespmem:s23+$0x12A20] =	vst v3  }
0x13e: {  	v1 =	vld.idx.msk [tilespmem:v5+s2+$0x0], $0xffff  }
0x13f: {  	v3 =	vld.idx.msk [tilespmem:v6+s2+$0x0], $0xffff;
	_ =	sdelay $0x5  }
0x140: {  	v1 =	vadd.f32 v3, v1;
	_ =	sdelay $0x1  }
0x141: {  	v3 =	vmul.f32 $2.000000030e-01, v1  }
0x142: {  	vm0 =	vgt.f32 v1, $0.0e+00  }
0x143: {  	v1 =	vsel vm0, v1, v3  }
0x144: {  	v3 =	vor.u32 $0x180, v5;
	v1 =	vmul.f32 $1.442695020e+00, v1  }
0x145: {  	v4 =	vor.u32 $0x100, v5  }
0x146: {  	(erf) = vpow2.f32 v1  }
0x147: {  	v1 =	vld [tilespmem:s23+$0xB240]  }
0x148: {  	v5 =	vld [tilespmem:s23+$0x9E40]  }
0x149: {  	v3 =	vld.idx.msk [tilespmem:v3+s2+$0x0], $0xffff  }
0x14a: {  	v4 =	vld.idx.msk [tilespmem:v4+s2+$0x0], $0xffff;
	_ =	sdelay $0x1  }
0x14b: {  	v6 =	vadd.s32 $0x4F00, v2;
	v7 =	vand.u32 $0x7F, v1;
	v8 =	vshll.u32 v1, $0x2  }
0x14c: {  	v9 =	vand.u32 $0x7F, v5;
	v5 =	vshll.u32 v5, $0x2;
	v8 =	vand.u32 $0xFFFFFE00, v8  }
0x14d: {  	v10 =	vadd.s32 $0x2780, v2;
	[tilespmem:s23+$0xEE30] =	vst v6;
	v5 =	vand.u32 $0xFFFFFE00, v5;
	v6 =	vor.u32 v8, v7  }
0x14e: {  	[tilespmem:s23+$0xDA30] =	vst v10;
	v5 =	vor.u32 v9, v5;
	v7 =	vpop (erf)  }
0x14f: {  	v4 =	vmul.f32 v7, v4;
	v3 =	vmul.f32 v7, v3;
	[tilespmem:s23+$0xC630] =	vst v2;
	v2 =	vor.u32 $0x80, v6  }
0x150: {  	[tilespmem:s23+$0x10230] =	vst v7  }
0x151: {  	[tilespmem:s23+$0x11630] =	vst v4  }
0x152: {  	[tilespmem:s23+$0x12A30] =	vst v3  }
0x153: {  	v3 =	vld.idx.msk [tilespmem:v5+s2+$0x0], $0xffff  }
0x154: {  	v2 =	vld.idx.msk [tilespmem:v2+s2+$0x0], $0xffff;
	_ =	sdelay $0x5  }
0x155: {  	v2 =	vadd.f32 v2, v3;
	_ =	sdelay $0x1  }
0x156: {  	v3 =	vmul.f32 $2.000000030e-01, v2  }
0x157: {  	vm0 =	vgt.f32 v2, $0.0e+00  }
0x158: {  	v2 =	vsel vm0, v2, v3  }
0x159: {  	v3 =	vor.u32 $0x180, v5;
	v2 =	vmul.f32 $1.442695020e+00, v2  }
0x15a: {  	v4 =	vor.u32 $0x100, v5  }
0x15b: {  	(erf) = vpow2.f32 v2  }
0x15c: {  	v2 =	vld [tilespmem:s23+$0xB250]  }
0x15d: {  	v5 =	vld [tilespmem:s23+$0x9E50]  }
0x15e: {  	v3 =	vld.idx.msk [tilespmem:v3+s2+$0x0], $0xffff  }
0x15f: {  	v6 =	vadd.s32 $0x2780, v1;
	v4 =	vld.idx.msk [tilespmem:v4+s2+$0x0], $0xffff  }
0x160: {  	[tilespmem:s23+$0xDA40] =	vst v6;
	v6 =	vadd.s32 $0x4F00, v1  }
0x161: {  	[tilespmem:s23+$0xEE40] =	vst v6;
	v6 =	vshll.u32 v2, $0x2  }
0x162: {  	v7 =	vand.u32 $0x7F, v2;
	[tilespmem:s23+$0xC640] =	vst v1;
	v1 =	vshll.u32 v5, $0x2;
	v6 =	vand.u32 $0xFFFFFE00, v6  }
0x163: {  	v8 =	vand.u32 $0x7F, v5;
	v1 =	vand.u32 $0xFFFFFE00, v1;
	v6 =	vor.u32 v6, v7  }
0x164: {  	v1 =	vor.u32 v8, v1;
	v5 =	vpop (erf)  }
0x165: {  	[tilespmem:s23+$0x10240] =	vst v5;
	v4 =	vmul.f32 v5, v4;
	v3 =	vmul.f32 v5, v3;
	v5 =	vor.u32 $0x80, v6  }
0x166: {  	v6 =	vor.u32 $0x100, v1  }
0x167: {  	[tilespmem:s23+$0x11640] =	vst v4;
	v4 =	vor.u32 $0x180, v1  }
0x168: {  	[tilespmem:s23+$0x12A40] =	vst v3  }
0x169: {  	v1 =	vld.idx.msk [tilespmem:v1+s2+$0x0], $0xffff  }
0x16a: {  	v3 =	vld.idx.msk [tilespmem:v5+s2+$0x0], $0xffff  }
0x16b: {  	v5 =	vld.idx.msk [tilespmem:v6+s2+$0x0], $0xffff  }
0x16c: {  	v4 =	vld.idx.msk [tilespmem:v4+s2+$0x0], $0xffff  }
0x16d: {  	v6 =	vadd.s32 $0x2780, v2;
	[tilespmem:s23+$0xC650] =	vst v2  }
0x16e: {  	v2 =	vadd.s32 $0x4F00, v2;
	[tilespmem:s23+$0xDA50] =	vst v6  }
0x16f: {  	[tilespmem:s23+$0xEE50] =	vst v2  }
0x170: {  	v1 =	vadd.f32 v3, v1;
	_ =	sdelay $0x1  }
0x171: {  	v2 =	vmul.f32 $2.000000030e-01, v1  }
0x172: {  	vm0 =	vgt.f32 v1, $0.0e+00  }
0x173: {  	v1 =	vsel vm0, v1, v2  }
0x174: {  	v1 =	vmul.f32 $1.442695020e+00, v1;
	_ =	sdelay $0x1  }
0x175: {  	(erf) = vpow2.f32 v1  }
0x176: {  	v1 =	vld [tilespmem:s23+$0xB260]  }
0x177: {  	v2 =	vld [tilespmem:s23+$0x9E60];
	_ =	sdelay $0x3  }
0x178: {  	v3 =	vshll.u32 v1, $0x2  }
0x179: {  	v7 =	vand.u32 $0x7F, v1;
	v9 =	vshll.u32 v2, $0x2;
	v3 =	vand.u32 $0xFFFFFE00, v3  }
0x17a: {  	v2 =	vand.u32 $0x7F, v2;
	v8 =	vand.u32 $0xFFFFFE00, v9;
	v3 =	vor.u32 v3, v7  }
0x17b: {  	v2 =	vor.u32 v2, v8;
	v6 =	vpop (erf)  }
0x17c: {  	v3 =	vor.u32 $0x80, v3;
	[tilespmem:s23+$0x10250] =	vst v6;
	v5 =	vmul.f32 v6, v5;
	v4 =	vmul.f32 v6, v4  }
0x17d: {  	v6 =	vor.u32 $0x100, v2  }
0x17e: {  	[tilespmem:s23+$0x11650] =	vst v5;
	v5 =	vor.u32 $0x180, v2  }
0x17f: {  	[tilespmem:s23+$0x12A50] =	vst v4  }
0x180: {  	v2 =	vld.idx.msk [tilespmem:v2+s2+$0x0], $0xffff  }
0x181: {  	v3 =	vld.idx.msk [tilespmem:v3+s2+$0x0], $0xffff  }
0x182: {  	v4 =	vld.idx.msk [tilespmem:v6+s2+$0x0], $0xffff  }
0x183: {  	v5 =	vld.idx.msk [tilespmem:v5+s2+$0x0], $0xffff  }
0x184: {  	v6 =	vadd.s32 $0x2780, v1;
	[tilespmem:s23+$0xC660] =	vst v1  }
0x185: {  	v1 =	vadd.s32 $0x4F00, v1;
	[tilespmem:s23+$0xDA60] =	vst v6  }
0x186: {  	[tilespmem:s23+$0xEE60] =	vst v1  }
0x187: {  	v1 =	vadd.f32 v3, v2;
	_ =	sdelay $0x1  }
0x188: {  	v2 =	vmul.f32 $2.000000030e-01, v1  }
0x189: {  	vm0 =	vgt.f32 v1, $0.0e+00  }
0x18a: {  	v1 =	vsel vm0, v1, v2  }
0x18b: {  	v1 =	vmul.f32 $1.442695020e+00, v1;
	_ =	sdelay $0x1  }
0x18c: {  	(erf) = vpow2.f32 v1  }
0x18d: {  	v1 =	vld [tilespmem:s23+$0xB270]  }
0x18e: {  	v2 =	vld [tilespmem:s23+$0x9E70];
	_ =	sdelay $0x3  }
0x18f: {  	v3 =	vshll.u32 v1, $0x2  }
0x190: {  	v7 =	vand.u32 $0x7F, v1;
	v9 =	vshll.u32 v2, $0x2;
	v3 =	vand.u32 $0xFFFFFE00, v3  }
0x191: {  	v2 =	vand.u32 $0x7F, v2;
	v8 =	vand.u32 $0xFFFFFE00, v9;
	v3 =	vor.u32 v3, v7  }
0x192: {  	v2 =	vor.u32 v2, v8;
	v6 =	vpop (erf)  }
0x193: {  	v3 =	vor.u32 $0x80, v3;
	[tilespmem:s23+$0x10260] =	vst v6;
	v4 =	vmul.f32 v6, v4;
	v5 =	vmul.f32 v6, v5  }
0x194: {  	v6 =	vor.u32 $0x100, v2  }
0x195: {  	[tilespmem:s23+$0x11660] =	vst v4;
	v4 =	vor.u32 $0x180, v2  }
0x196: {  	[tilespmem:s23+$0x12A60] =	vst v5  }
0x197: {  	v2 =	vld.idx.msk [tilespmem:v2+s2+$0x0], $0xffff  }
0x198: {  	v3 =	vld.idx.msk [tilespmem:v3+s2+$0x0], $0xffff  }
0x199: {  	v5 =	vld.idx.msk [tilespmem:v6+s2+$0x0], $0xffff  }
0x19a: {  	v6 =	vadd.s32 $0x2780, v1;
	v4 =	vld.idx.msk [tilespmem:v4+s2+$0x0], $0xffff  }
0x19b: {  	[tilespmem:s23+$0xDA70] =	vst v6;
	v6 =	vadd.s32 $0x4F00, v1  }
0x19c: {  	[tilespmem:s23+$0xEE70] =	vst v6  }
0x19d: {  	[tilespmem:s23+$0xC670] =	vst v1  }
0x19e: {  	v1 =	vadd.f32 v3, v2;
	_ =	sdelay $0x1  }
0x19f: {  	v2 =	vmul.f32 $2.000000030e-01, v1  }
0x1a0: {  	vm0 =	vgt.f32 v1, $0.0e+00  }
0x1a1: {  	v1 =	vsel vm0, v1, v2  }
0x1a2: {  	v1 =	vmul.f32 $1.442695020e+00, v1;
	_ =	sdelay $0x1  }
0x1a3: {  	(erf) = vpow2.f32 v1;
	_ =	sdelay $0x5  }
.Ltmp3:
0x1a4: {  	(pc) =	sbr.rel @p2 .LBB2_6-.Ltmp3, $3  }
0x1a5: {  	_ =	sdelay $0x1  }
0x1a6: {  	v1 =	vpop (erf)  }
0x1a7: {  	[tilespmem:s23+$0x10270] =	vst v1;
	v2 =	vmul.f32 v1, v5;
	v1 =	vmul.f32 v1, v4  }
.LBB2_7:
0x1a8: {  	_ = 	snop  }
0x1a9: {  	[tilespmem:s23+$0x11670] =	vst v2  }
0x1aa: {  	s0 =	sadd.s32 $0x10200, s23;
	s25 =	sadd.s32 $0xC600, s23;
	[tilespmem:s23+$0x12A70] =	vst v1  }
0x1ab: {  	[spmem:s1] =	stream.indirect.scatter.add.f32 [tilespmem:s0], [sflag:$0x1], $0x1, s25, s20, $0xb8;
	[tilespmem:$0x15468] =	vst v63  }
0x1ac: {  	s28 =	sadd.s32 $0x11600, s23;
	s29 =	sadd.s32 $0xDA00, s23;
	p2 =	slt.u32 s24, $0x8  }
0x1ad: {  	[spmem:s1] =	stream.indirect.scatter.add.f32 [tilespmem:s28], [sflag:$0x1], $0x1, s29, s20, $0xb8;
	[tilespmem:$0x15468] =	vst v63  }
0x1ae: {  	s30 =	sadd.s32 $0x12A00, s23;
	s31 =	sadd.s32 $0xEE00, s23;
	s24 =	simm.s32 @!p2 $0x1  }
0x1af: {  	[spmem:s1] =	stream.indirect.scatter.add.f32 [tilespmem:s30], [sflag:$0x1], $0x1, s31, s20, $0xb8;
	[tilespmem:$0x15468] =	vst v63  }
0x1b0: {  	_ =	swait.ge @!p2 [sflag:s24], $0x80  }
0x1b1: {  	[sflag:s24] =	ssyncset.done @!p2 $0x0  }
0x1b2: {  	[sflag:s24] =	ssyncadd.s32 @!p2 $0xFFFFFF80  }
0x1b3: {  	_ =	swait.ge @!p2 [sflag:s24], $0x80  }
0x1b4: {  	[sflag:s24] =	ssyncset.done @!p2 $0x0  }
0x1b5: {  	[sflag:s24] =	ssyncadd.s32 @!p2 $0xFFFFFF80  }
0x1b6: {  	_ =	swait.ge @!p2 [sflag:s24], $0x80  }
0x1b7: {  	[sflag:s24] =	ssyncset.done @!p2 $0x0  }
0x1b8: {  	[sflag:s24] =	ssyncadd.s32 @!p2 $0xFFFFFF80  }
0x1b9: {  	_ =	swait.ge [sflag:s21], $0x80  }
0x1ba: {  	[sflag:s21] =	ssyncset.done $0x0  }
0x1bb: {  	[sflag:s21] =	ssyncadd.s32 $0xFFFFFF80  }
0x1bc: {  	_ =	swait.ge [sflag:s21], $0x80  }
0x1bd: {  	[sflag:s21] =	ssyncset.done $0x0  }
0x1be: {  	[sflag:s21] =	ssyncadd.s32 $0xFFFFFF80  }
0x1bf: {  	_ =	swait.ge [sflag:s21], $0x80  }
0x1c0: {  	[sflag:s21] =	ssyncset.done $0x0  }
0x1c1: {  	[sflag:s21] =	ssyncadd.s32 $0xFFFFFF80  }
0x1c2: {  	_ =	swait.ge [sflag:s21], $0x80  }
0x1c3: {  	[sflag:s21] =	ssyncset.done $0x0  }
0x1c4: {  	[sflag:s21] =	ssyncadd.s32 $0xFFFFFF80  }
0x1c5: {  	_ =	swait.ge [sflag:s21], $0x80  }
0x1c6: {  	[sflag:s21] =	ssyncset.done $0x0  }
0x1c7: {  	[sflag:s21] =	ssyncadd.s32 $0xFFFFFF80  }
0x1c8: {  	_ =	swait.ge [sflag:s21], $0x80  }
0x1c9: {  	[sflag:s21] =	ssyncset.done $0x0  }
0x1ca: {  	[sflag:s21] =	ssyncadd.s32 $0xFFFFFF80  }
0x1cb: {  	_ =	swait.ge [sflag:s21], $0x80  }
0x1cc: {  	[sflag:s21] =	ssyncset.done $0x0  }
0x1cd: {  	[sflag:s21] =	ssyncadd.s32 $0xFFFFFF80  }
0x1ce: {  	_ =	swait.ge [sflag:s21], $0x80  }
0x1cf: {  	[sflag:s21] =	ssyncset.done $0x0  }
0x1d0: {  	[sflag:s21] =	ssyncadd.s32 $0xFFFFFF80  }
0x1d1: {  	_ =	swait.ge [sflag:s21], $0x80  }
0x1d2: {  	[sflag:s21] =	ssyncset.done $0x0  }
0x1d3: {  	[sflag:s21] =	ssyncadd.s32 $0xFFFFFF80  }
0x1d4: {  	_ =	swait.ge [sflag:s21], $0x80  }
0x1d5: {  	[sflag:s21] =	ssyncset.done $0x0  }
0x1d6: {  	[sflag:s21] =	ssyncadd.s32 $0xFFFFFF80  }
0x1d7: {  	_ =	swait.ge [sflag:s21], $0x80  }
0x1d8: {  	[sflag:s21] =	ssyncset.done $0x0  }
0x1d9: {  	[sflag:s21] =	ssyncadd.s32 $0xFFFFFF80  }
0x1da: {  	_ =	swait.ge [sflag:s21], $0x80  }
0x1db: {  	[sflag:s21] =	ssyncset.done $0x0  }
0x1dc: {  	[sflag:s21] =	ssyncadd.s32 $0xFFFFFF80  }
0x1dd: {  	_ =	swait.ge [sflag:s21], $0x80  }
0x1de: {  	[sflag:s21] =	ssyncset.done $0x0  }
0x1df: {  	[sflag:s21] =	ssyncadd.s32 $0xFFFFFF80  }
0x1e0: {  	_ =	swait.ge [sflag:s21], $0x80  }
0x1e1: {  	[sflag:s21] =	ssyncset.done $0x0  }
0x1e2: {  	[sflag:s21] =	ssyncadd.s32 $0xFFFFFF80  }
0x1e3: {  	_ =	swait.ge [sflag:s21], $0x80  }
0x1e4: {  	[sflag:s21] =	ssyncset.done $0x0  }
0x1e5: {  	[sflag:s21] =	ssyncadd.s32 $0xFFFFFF80  }
0x1e6: {  	_ =	swait.ge [sflag:s21], $0x80  }
0x1e7: {  	[sflag:s21] =	ssyncset.done $0x0  }
0x1e8: {  	[sflag:s21] =	ssyncadd.s32 $0xFFFFFF80  }
0x1e9: {  	_ =	swait.ge [sflag:s21], $0x80  }
0x1ea: {  	[sflag:s21] =	ssyncset.done $0x0  }
0x1eb: {  	[sflag:s21] =	ssyncadd.s32 $0xFFFFFF80  }
0x1ec: {  	_ =	swait.ge [sflag:s21], $0x80  }
0x1ed: {  	[sflag:s21] =	ssyncset.done $0x0  }
0x1ee: {  	[sflag:s21] =	ssyncadd.s32 $0xFFFFFF80  }
0x1ef: {  	_ =	swait.ge [sflag:s21], $0x80  }
0x1f0: {  	[sflag:s21] =	ssyncset.done $0x0  }
0x1f1: {  	[sflag:s21] =	ssyncadd.s32 $0xFFFFFF80  }
0x1f2: {  	_ =	swait.ge [sflag:s21], $0x80  }
0x1f3: {  	[sflag:s21] =	ssyncset.done $0x0  }
0x1f4: {  	[sflag:s21] =	ssyncadd.s32 $0xFFFFFF80  }
0x1f5: {  	_ =	swait.ge [sflag:s21], $0x80  }
0x1f6: {  	[sflag:s21] =	ssyncset.done $0x0  }
0x1f7: {  	[sflag:s21] =	ssyncadd.s32 $0xFFFFFF80  }
0x1f8: {  	_ =	swait.ge [sflag:s21], $0x80  }
0x1f9: {  	[sflag:s21] =	ssyncset.done $0x0  }
0x1fa: {  	[sflag:s21] =	ssyncadd.s32 $0xFFFFFF80  }
0x1fb: {  	_ =	swait.ge [sflag:s21], $0x80  }
0x1fc: {  	[sflag:s21] =	ssyncset.done $0x0  }
0x1fd: {  	[sflag:s21] =	ssyncadd.s32 $0xFFFFFF80  }
0x1fe: {  	s26 =	simm.s32 @!p1 $0x1C02;
	_ =	swait.ge [sflag:s21], $0x80  }
0x1ff: {  	s22 =	sadd.s32 $0x1, s22;
	s23 =	simm.s32 @!p1 $0x1;
	[sflag:s21] =	ssyncset.done $0x0  }
0x200: {  	s0 =	sshrl.u32 @!p1 s1, $0x3;
	s25 =	simm.s32 @!p1 $0x10;
	[sflag:s21] =	ssyncadd.s32 $0xFFFFFF80  }
0x201: {  	s24 =	simm.s32 @!p1 $0x20;
	p2 =	sne.s32 s22, s10;
	[bflag:$0x0] =	sbarrier.arrive $0xFFFF  }
0x202: {  	[hbm:s9@s24], [sflag:s26] =	dma.strided @!p1 [spmem:s0@s25], $0xED0, s23, $0x10   }
.Ltmp4:
0x203: {  	_ = 	snop;
	(pc) =	sbr.rel @p2 .LBB2_1-.Ltmp4, $4  }
0x204: {  	s0 =	simm.s32 @!p1 $0x2  }
0x205: {  	_ =	swait.ge @!p1 [sflag:s0], $0xED0  }
0x206: {  	[sflag:s0] =	ssyncset.done @!p1 $0x0  }
0x207: {  	[sflag:s0] =	ssyncadd.s32 @!p1 $0xFFFFF130  }
0x208: {  	_ =	sfence.sel $0x180000  }
0x209: {  	[bflag:$0x0] =	sbarrier.arrive $0xFFFF  }
0x20a: {  	_ =	strace $0x90000047  }
0x20b: {  	[bflag:$0x2] =	sbarrier.arrive $0xFFFF  }
0x20c: {  	s0 =	rddreg [dreg:$0x3]  }
0x20d: {  	s0 =	sadd.s32 @!p1 $0x100000, s0  }
0x20e: {  	[sflag:s0] =	ssyncadd.tile.s32 @!p1 $0x1;
	_ =	shalt  }
.Lfunc_end2:
_tile_overlayer_lowered:
.L_overlay_start_2:
0x20f: {  	(tag) =	ssettag $0x2  }
0x210: {  	s0 =	rddreg [dreg:$0x0];
	s2 =	stileid.u32  }
0x211: {  	s1 =	rddreg [dreg:$0x1];
	p0 =	sne.s32 s2, $0x0  }
0x212: {  	s3 =	rddreg [dreg:$0x2];
	[bflag:$0x3] =	sbarrier.arrive $0xFFFF;
	s2 =	simm.s32 @!p0 $0x1C02  }
0x213: {  	[timem:s3], [sflag:s2] =	dma.local @!p0 [hbm:s0], s1  }
0x214: {  	s0 =	simm.s32 @!p0 $0x2  }
0x215: {  	_ =	swait.ge @!p0 [sflag:s0], s1  }
0x216: {  	s1 =	ssub.s32 @!p0 $0x0, s1;
	[sflag:s0] =	ssyncset.done @!p0 $0x0  }
0x217: {  	[sflag:s0] =	ssyncadd.s32 @!p0 s1  }
0x218: {  	[bflag:$0x3] =	sbarrier.arrive $0xFFFF  }
0x219: {  	_ =	shalt  }

</sc_bundles>
